<compile_context>
chip_gen: v7x
topology: tpu7x:2x2x1
jax: 0.10.2.dev20260603
libtpu: 0.0.44.dev20260713+nightly
codegen_flags: <defaults>
</compile_context>

<pallas_src>
import functools

import jax
import jax.numpy as jnp
from jax import lax
from jax.experimental import pallas as pl
from jax.experimental.pallas import tpu as pltpu
from jax.experimental.pallas import tpu_sc as plsc

B = 1024
D = 256
N = 100000
TEMP = 0.05
INV_TEMP = 1.0 / TEMP

ROWS_PER_BLOCK = 5000
NUM_BLOCKS = N // ROWS_PER_BLOCK

LOG2E = 1.4426950408889634
EXP2_SCALE = INV_TEMP * LOG2E



def _make_sc_dots():
  info = plsc.get_sparse_core_info()
  nw = info.num_cores * info.num_subcores
  b_per_w = B // nw
  nl = info.num_lanes
  nchunk = D // nl
  mesh = plsc.VectorSubcoreMesh(core_axis_name="c", subcore_axis_name="s")

  @functools.partial(
      pl.kernel,
      mesh=mesh,
      out_type=[
          jax.ShapeDtypeStruct((B,), jnp.float32),
          jax.ShapeDtypeStruct((B,), jnp.float32),
          jax.ShapeDtypeStruct((B,), jnp.float32),
      ],
      scratch_types=[
          pltpu.VMEM((b_per_w,), jnp.int32),
          pltpu.VMEM((b_per_w, D), jnp.float32),
          pltpu.VMEM((b_per_w, D), jnp.float32),
          pltpu.VMEM((b_per_w, D), jnp.float32),
          pltpu.VMEM((b_per_w,), jnp.float32),
          pltpu.VMEM((b_per_w,), jnp.float32),
          pltpu.VMEM((b_per_w,), jnp.float32),
          pltpu.SemaphoreType.DMA,
          pltpu.SemaphoreType.DMA,
      ],
  )
  def sc_dots(x_hbm, pos_hbm, neg_hbm, tgt_hbm, out_up, out_un, out_q,
              idx_v, x_v, rows_p, rows_n, up_v, un_v, q_v, sem_p, sem_n):
    wid = lax.axis_index("s") * info.num_cores + lax.axis_index("c")
    base = wid * b_per_w
    pltpu.sync_copy(tgt_hbm.at[pl.ds(base, b_per_w)], idx_v)
    dma_p = pltpu.async_copy(pos_hbm.at[idx_v], rows_p, sem_p)
    dma_n = pltpu.async_copy(neg_hbm.at[idx_v], rows_n, sem_n)
    pltpu.sync_copy(x_hbm.at[pl.ds(base, b_per_w)], x_v)
    dma_p.wait()
    dma_n.wait()

    z = jnp.zeros((nl,), jnp.float32)
    lane = lax.iota(jnp.int32, nl)

    dnums = lax.GatherDimensionNumbers(offset_dims=(), collapsed_slice_dims=(0,),
                                       start_index_map=(0,))

    def lane_total(v):
      for sh in (8, 4, 2, 1):
        perm = lane ^ sh
        shuf = lax.gather(v, perm[:, None], dnums, slice_sizes=(1,),
                          mode=lax.GatherScatterMode.PROMISE_IN_BOUNDS)
        v = v + shuf
      return v

    for g in range(b_per_w // nl):
      def row16_body(j, res):
        res_up, res_un, res_q = res
        r = g * nl + j

        def chunk_body(c, carry):
          a_up, a_un, a_q = carry
          xv = x_v[r, pl.ds(c * nl, nl)]
          return (a_up + xv * rows_p[r, pl.ds(c * nl, nl)],
                  a_un + xv * rows_n[r, pl.ds(c * nl, nl)],
                  a_q + xv * xv)

        a_up, a_un, a_q = lax.fori_loop(0, nchunk, chunk_body, (z, z, z))
        sel = lane == j
        return (jnp.where(sel, lane_total(a_up), res_up),
                jnp.where(sel, lane_total(a_un), res_un),
                jnp.where(sel, lane_total(a_q), res_q))

      res_up, res_un, res_q = lax.fori_loop(0, nl, row16_body, (z, z, z))
      up_v[pl.ds(g * nl, nl)] = res_up
      un_v[pl.ds(g * nl, nl)] = res_un
      q_v[pl.ds(g * nl, nl)] = res_q
    pltpu.sync_copy(up_v, out_up.at[pl.ds(base, b_per_w)])
    pltpu.sync_copy(un_v, out_un.at[pl.ds(base, b_per_w)])
    pltpu.sync_copy(q_v, out_q.at[pl.ds(base, b_per_w)])

  return sc_dots


_sc_dots_cache = []


def _sc_dots(x, pos, neg, tgt):
  if not _sc_dots_cache:
    _sc_dots_cache.append(_make_sc_dots())
  return _sc_dots_cache[0](x, pos, neg, tgt)



def _stream_body(x_ref, neg_ref, acc_ref, xnb_ref):
  i = pl.program_id(0)

  @pl.when(i == 0)
  def _init():
    x = x_ref[...]
    nrm = jnp.sqrt(jnp.sum(x * x, axis=1, keepdims=True))
    xnb_ref[...] = (x * (EXP2_SCALE / (nrm + 1e-12))).astype(jnp.bfloat16)
    acc_ref[...] = jnp.zeros_like(acc_ref)

  nb = neg_ref[...].astype(jnp.bfloat16)
  s = lax.dot_general(nb, xnb_ref[...], (((1,), (1,)), ((), ())),
                      preferred_element_type=jnp.float32)
  e = jnp.exp2(s).reshape(ROWS_PER_BLOCK // 8, 8, B)
  acc_ref[...] += jnp.sum(e, axis=0)


def _exp_sums(x, neg):
  return pl.pallas_call(
      _stream_body,
      grid=(NUM_BLOCKS,),
      in_specs=[
          pl.BlockSpec((B, D), lambda i: (0, 0)),
          pl.BlockSpec((ROWS_PER_BLOCK, D), lambda i: (i, 0)),
      ],
      out_specs=pl.BlockSpec((8, B), lambda i: (0, 0)),
      out_shape=jax.ShapeDtypeStruct((8, B), jnp.float32),
      scratch_shapes=[
          pltpu.VMEM((B, D), jnp.bfloat16),
      ],
  )(x, neg)



def _finish_body(acc_ref, up_ref, un_ref, q_ref, out_ref):
  s_lane = jnp.sum(acc_ref[...], axis=0, keepdims=True)
  inv_nrm = 1.0 / (jnp.sqrt(q_ref[...]) + 1e-12)
  l_pos = up_ref[...] * inv_nrm
  t_neg = un_ref[...] * inv_nrm
  l_neg = s_lane - jnp.exp(t_neg * INV_TEMP) + jnp.exp(l_pos * INV_TEMP)
  per_sample = l_pos * INV_TEMP - jnp.log(l_neg)
  out_ref[...] = jnp.reshape(-jnp.mean(per_sample), (1, 1))


def _finish(acc, up, un, q):
  return pl.pallas_call(
      _finish_body,
      out_shape=jax.ShapeDtypeStruct((1, 1), jnp.float32),
  )(acc, up, un, q)


def kernel(inputs, pos_protomemory, neg_protomemory, targets, indexes):
  del indexes
  up, un, q = _sc_dots(inputs, pos_protomemory, neg_protomemory,
                       targets.astype(jnp.int32))
  acc = _exp_sums(inputs, neg_protomemory)
  loss = _finish(acc, up.reshape(1, B), un.reshape(1, B), q.reshape(1, B))
  return loss[0, 0]

# --- scband reference (transcript-rebuilt; emitter-appended) ---
"""Pipeline reference for scband-memory-41016937676880 (READ-ONLY COPY).

The authoritative reference and input builder live on the scoring server;
editing this copy changes nothing except your own understanding.
"""

import jax, jax.numpy as jnp
import numpy as np

NUM_SAMPLES = 100000
NUM_FEATURES = 256
BATCH = 1024
TEMP = 0.05


def _l2norm(x, axis=1):
    return x / (jnp.linalg.norm(x, axis=axis, keepdims=True) + 1e-12)


def setup_inputs(seed: int = 0) -> dict:
    key = jax.random.key(seed)
    k1, k2, k3, k4, k5 = jax.random.split(key, 5)
    inputs = jax.random.normal(k1, (BATCH, NUM_FEATURES), dtype=jnp.float32)
    targets = jax.random.randint(k2, (BATCH,), 0, NUM_SAMPLES)
    indexes = jax.random.randint(k3, (BATCH,), 0, NUM_SAMPLES)
    # learned/buffer state: mixed prototype memories (normalized, as maintained by the momentum update)
    pos_protomemory = _l2norm(jax.random.normal(k4, (NUM_SAMPLES, NUM_FEATURES), dtype=jnp.float32))
    neg_protomemory = _l2norm(jax.random.normal(k5, (NUM_SAMPLES, NUM_FEATURES), dtype=jnp.float32))
    return {
        "inputs": inputs,
        "pos_protomemory": pos_protomemory,
        "neg_protomemory": neg_protomemory,
        "targets": targets,
        "indexes": indexes,
    }


def reference(inputs, pos_protomemory, neg_protomemory, targets, indexes):
    # inputs = F.normalize(inputs, dim=1)
    x = _l2norm(inputs, axis=1)
    B = x.shape[0]
    rows = jnp.arange(B)
    # output_sim: gather positive prototypes, dense similarity against negative memory,
    # then scatter-overwrite the target column with the positive similarity.
    cp = jnp.take(pos_protomemory, targets, axis=0)          # gather [B, d]
    l_pos_sim = jnp.sum(x * cp, axis=1)                      # diag of x @ cp.T
    l_neg_sim = x @ neg_protomemory.T                        # [B, NUM_SAMPLES]
    outputs = l_neg_sim.at[rows, targets].set(l_pos_sim)     # scatter-overwrite
    outputs = outputs / TEMP
    # loss: l_pos = exp(outputs[:, targets].diag()); l_neg = exp(outputs).sum(dim=1)
    l_pos = jnp.exp(outputs[rows, targets])
    l_neg = jnp.exp(outputs).sum(axis=1)
    # nh_protomemory is empty in this reference (no extra hard-negative logit delta)
    loss = -jnp.mean(jnp.log(l_pos / l_neg))
    return loss

if __name__ == "__main__":
    import jax
    _d = setup_inputs()
    print(jax.jit(kernel)(*tuple(_d.values())))

</pallas_src>

<mosaic_0001>
#map = affine_map<(d0, d1) -> (0, 0)>
#map1 = affine_map<(d0, d1) -> (0)>
module attributes {stable_mosaic.version = 14 : i64} {
  func.func @sc_dots(%arg0: i32, %arg1: i32, %arg2: memref<1024x256xf32, #tpu.memory_space<hbm>>, %arg3: memref<100000x256xf32, #tpu.memory_space<hbm>>, %arg4: memref<100000x256xf32, #tpu.memory_space<hbm>>, %arg5: memref<1024xi32, #tpu.memory_space<hbm>>, %arg6: memref<1024xf32, #tpu.memory_space<hbm>>, %arg7: memref<1024xf32, #tpu.memory_space<hbm>>, %arg8: memref<1024xf32, #tpu.memory_space<hbm>>, %arg9: memref<32xi32, #tpu.memory_space<vmem>>, %arg10: memref<32x256xf32, #tpu.memory_space<vmem>>, %arg11: memref<32x256xf32, #tpu.memory_space<vmem>>, %arg12: memref<32x256xf32, #tpu.memory_space<vmem>>, %arg13: memref<32xf32, #tpu.memory_space<vmem>>, %arg14: memref<32xf32, #tpu.memory_space<vmem>>, %arg15: memref<32xf32, #tpu.memory_space<vmem>>, %arg16: memref<!tpu.dma_semaphore, #tpu.memory_space<semaphore_mem>>, %arg17: memref<!tpu.dma_semaphore, #tpu.memory_space<semaphore_mem>>) attributes {dimension_semantics = [#tpu.dimension_semantics<core_parallel>, #tpu.dimension_semantics<subcore_parallel>], iteration_bounds = array<i64: 2, 16>, scalar_prefetch = 0 : i64, scratch_operands = 9 : i64, tpu.core_type = #tpu.core_type<sc_vector_subcore>, window_params = [{transform_indices = #map}, {transform_indices = #map}, {transform_indices = #map}, {transform_indices = #map1}, {transform_indices = #map1}, {transform_indices = #map1}, {transform_indices = #map1}]} {
    %mul3A = arith.constant 2 : i32
    %mul3A_0 = arith.muli %arg1, %mul3A : i32
    %add3A = arith.addi %mul3A_0, %arg0 : i32
    %mul3A_1 = arith.constant 32 : i32
    %mul3A_2 = arith.muli %add3A, %mul3A_1 : i32
    "tpu.region"() ({
      %run_scoped3A = tpu.sem_alloc : memref<!tpu.dma_semaphore, #tpu.memory_space<semaphore_mem>>
      %dma_start3A_48 = tpu.memref_slice %arg5[%mul3A_2] : memref<1024xi32, #tpu.memory_space<hbm>> -> memref<32xi32, #tpu.memory_space<hbm>>
      %dma_start3A_49 = tpu.memref_slice %arg5[%mul3A_2] : memref<1024xi32, #tpu.memory_space<hbm>> -> memref<32xi32, #tpu.memory_space<hbm>>
      tpu.enqueue_dma source(%dma_start3A_49 : memref<32xi32, #tpu.memory_space<hbm>>) target(%arg9 : memref<32xi32, #tpu.memory_space<vmem>>) target_semaphore(%run_scoped3A : memref<!tpu.dma_semaphore, #tpu.memory_space<semaphore_mem>>)
      %dma_wait3A_50 = tpu.memref_slice %arg5[%mul3A_2] : memref<1024xi32, #tpu.memory_space<hbm>> -> memref<32xi32, #tpu.memory_space<hbm>>
      %dma_wait3A_51 = tpu.memref_slice %arg5[%mul3A_2] : memref<1024xi32, #tpu.memory_space<hbm>> -> memref<32xi32, #tpu.memory_space<hbm>>
      tpu.wait_dma2 semaphore(%run_scoped3A : memref<!tpu.dma_semaphore, #tpu.memory_space<semaphore_mem>>) src(%dma_wait3A_51 : memref<32xi32, #tpu.memory_space<hbm>>) dst(%arg9 : memref<32xi32, #tpu.memory_space<vmem>>)
      tpu.yield
    }) : () -> ()
    %dma_start3A = arith.constant 0 : i32
    %dma_start3A_3 = arith.constant 0 : i32
    %dma_start3A_4 = tpu.memref_slice %arg3[%dma_start3A, %dma_start3A_3] : memref<100000x256xf32, #tpu.memory_space<hbm>> -> memref<100000x256xf32, #tpu.memory_space<hbm>>
    tpu.enqueue_indirect_dma source(%dma_start3A_4 : memref<100000x256xf32, #tpu.memory_space<hbm>>) target(%arg11 : memref<32x256xf32, #tpu.memory_space<vmem>>) offsets(%arg9 : memref<32xi32, #tpu.memory_space<vmem>>) semaphore(%arg16 : memref<!tpu.dma_semaphore, #tpu.memory_space<semaphore_mem>>)
    %dma_start3A_5 = arith.constant 0 : i32
    %dma_start3A_6 = arith.constant 0 : i32
    %dma_start3A_7 = tpu.memref_slice %arg4[%dma_start3A_5, %dma_start3A_6] : memref<100000x256xf32, #tpu.memory_space<hbm>> -> memref<100000x256xf32, #tpu.memory_space<hbm>>
    tpu.enqueue_indirect_dma source(%dma_start3A_7 : memref<100000x256xf32, #tpu.memory_space<hbm>>) target(%arg12 : memref<32x256xf32, #tpu.memory_space<vmem>>) offsets(%arg9 : memref<32xi32, #tpu.memory_space<vmem>>) semaphore(%arg17 : memref<!tpu.dma_semaphore, #tpu.memory_space<semaphore_mem>>)
    "tpu.region"() ({
      %run_scoped3A = tpu.sem_alloc : memref<!tpu.dma_semaphore, #tpu.memory_space<semaphore_mem>>
      %dma_start3A_48 = arith.constant 0 : i32
      %dma_start3A_49 = tpu.memref_slice %arg2[%mul3A_2, %dma_start3A_48] : memref<1024x256xf32, #tpu.memory_space<hbm>> -> memref<32x256xf32, #tpu.memory_space<hbm>>
      %dma_start3A_50 = arith.constant 0 : i32
      %dma_start3A_51 = tpu.memref_slice %arg2[%mul3A_2, %dma_start3A_50] : memref<1024x256xf32, #tpu.memory_space<hbm>> -> memref<32x256xf32, #tpu.memory_space<hbm>>
      tpu.enqueue_dma source(%dma_start3A_51 : memref<32x256xf32, #tpu.memory_space<hbm>>) target(%arg10 : memref<32x256xf32, #tpu.memory_space<vmem>>) target_semaphore(%run_scoped3A : memref<!tpu.dma_semaphore, #tpu.memory_space<semaphore_mem>>)
      %dma_wait3A_52 = arith.constant 0 : i32
      %dma_wait3A_53 = tpu.memref_slice %arg2[%mul3A_2, %dma_wait3A_52] : memref<1024x256xf32, #tpu.memory_space<hbm>> -> memref<32x256xf32, #tpu.memory_space<hbm>>
      %dma_wait3A_54 = arith.constant 0 : i32
      %dma_wait3A_55 = tpu.memref_slice %arg2[%mul3A_2, %dma_wait3A_54] : memref<1024x256xf32, #tpu.memory_space<hbm>> -> memref<32x256xf32, #tpu.memory_space<hbm>>
      tpu.wait_dma2 semaphore(%run_scoped3A : memref<!tpu.dma_semaphore, #tpu.memory_space<semaphore_mem>>) src(%dma_wait3A_55 : memref<32x256xf32, #tpu.memory_space<hbm>>) dst(%arg10 : memref<32x256xf32, #tpu.memory_space<vmem>>)
      tpu.yield
    }) : () -> ()
    %dma_wait3A = arith.constant 0 : i32
    %dma_wait3A_8 = arith.constant 0 : i32
    %dma_wait3A_9 = tpu.memref_slice %arg3[%dma_wait3A, %dma_wait3A_8] : memref<100000x256xf32, #tpu.memory_space<hbm>> -> memref<100000x256xf32, #tpu.memory_space<hbm>>
    tpu.wait_indirect_dma semaphore(%arg16 : memref<!tpu.dma_semaphore, #tpu.memory_space<semaphore_mem>>) src(%dma_wait3A_9 : memref<100000x256xf32, #tpu.memory_space<hbm>>) dst(%arg11 : memref<32x256xf32, #tpu.memory_space<vmem>>)
    %dma_wait3A_10 = arith.constant 0 : i32
    %dma_wait3A_11 = arith.constant 0 : i32
    %dma_wait3A_12 = tpu.memref_slice %arg4[%dma_wait3A_10, %dma_wait3A_11] : memref<100000x256xf32, #tpu.memory_space<hbm>> -> memref<100000x256xf32, #tpu.memory_space<hbm>>
    tpu.wait_indirect_dma semaphore(%arg17 : memref<!tpu.dma_semaphore, #tpu.memory_space<semaphore_mem>>) src(%dma_wait3A_12 : memref<100000x256xf32, #tpu.memory_space<hbm>>) dst(%arg12 : memref<32x256xf32, #tpu.memory_space<vmem>>)
    %broadcast_in_dim3A = arith.constant 0.000000e+00 : f32
    %broadcast_in_dim3A_13 = vector.broadcast %broadcast_in_dim3A : f32 to vector<16xf32>
    %iota3A = tpu.iota {dimensions = array<i32: 0>} : vector<16xi32>
    %scan3A = arith.constant 0 : i32
    %scan3A_14 = arith.constant 16 : i32
    %scan3A_15 = arith.addi %scan3A, %scan3A_14 : i32
    %scan3A_16 = arith.constant 1 : i32
    %scan3A_17:3 = scf.for %scan3A_48 = %scan3A to %scan3A_15 step %scan3A_16 iter_args(%scan3A_49 = %broadcast_in_dim3A_13, %scan3A_50 = %broadcast_in_dim3A_13, %scan3A_51 = %broadcast_in_dim3A_13) -> (vector<16xf32>, vector<16xf32>, vector<16xf32>)  : i32 {
      %add3A_52 = arith.constant 0 : i32
      %add3A_53 = arith.addi %add3A_52, %scan3A_48 : i32
      %scan3A_54 = arith.constant 0 : i32
      %scan3A_55 = arith.constant 16 : i32
      %scan3A_56 = arith.addi %scan3A_54, %scan3A_55 : i32
      %scan3A_57 = arith.constant 1 : i32
      %scan3A_58:3 = scf.for %scan3A_145 = %scan3A_54 to %scan3A_56 step %scan3A_57 iter_args(%scan3A_146 = %broadcast_in_dim3A_13, %scan3A_147 = %broadcast_in_dim3A_13, %scan3A_148 = %broadcast_in_dim3A_13) -> (vector<16xf32>, vector<16xf32>, vector<16xf32>)  : i32 {
        %mul3A_149 = arith.constant 16 : i32
        %mul3A_150 = arith.muli %scan3A_145, %mul3A_149 : i32
        %get3A = arith.index_cast %add3A_53 : i32 to index
        %get3A_151 = arith.index_cast %mul3A_150 : i32 to index
        %get3A_152 = tpu.vector_load %arg10[%get3A, %get3A_151] {strides = array<i32>} : memref<32x256xf32, #tpu.memory_space<vmem>>, vector<1x16xf32>,
        %get3A_153 = vector.shape_cast %get3A_152 : vector<1x16xf32> to vector<16xf32>
        %mul3A_154 = arith.constant 16 : i32
        %mul3A_155 = arith.muli %scan3A_145, %mul3A_154 : i32
        %get3A_156 = arith.index_cast %add3A_53 : i32 to index
        %get3A_157 = arith.index_cast %mul3A_155 : i32 to index
        %get3A_158 = tpu.vector_load %arg11[%get3A_156, %get3A_157] {strides = array<i32>} : memref<32x256xf32, #tpu.memory_space<vmem>>, vector<1x16xf32>,
        %get3A_159 = vector.shape_cast %get3A_158 : vector<1x16xf32> to vector<16xf32>
        %mul3A_160 = arith.mulf %get3A_153, %get3A_159 : vector<16xf32>
        %add3A_161 = arith.addf %scan3A_146, %mul3A_160 : vector<16xf32>
        %mul3A_162 = arith.constant 16 : i32
        %mul3A_163 = arith.muli %scan3A_145, %mul3A_162 : i32
        %get3A_164 = arith.index_cast %add3A_53 : i32 to index
        %get3A_165 = arith.index_cast %mul3A_163 : i32 to index
        %get3A_166 = tpu.vector_load %arg12[%get3A_164, %get3A_165] {strides = array<i32>} : memref<32x256xf32, #tpu.memory_space<vmem>>, vector<1x16xf32>,
        %get3A_167 = vector.shape_cast %get3A_166 : vector<1x16xf32> to vector<16xf32>
        %mul3A_168 = arith.mulf %get3A_153, %get3A_167 : vector<16xf32>
        %add3A_169 = arith.addf %scan3A_147, %mul3A_168 : vector<16xf32>
        %mul3A_170 = arith.mulf %get3A_153, %get3A_153 : vector<16xf32>
        %add3A_171 = arith.addf %scan3A_148, %mul3A_170 : vector<16xf32>
        scf.yield %add3A_161, %add3A_169, %add3A_171 : vector<16xf32>, vector<16xf32>, vector<16xf32>
      }
      %scan3A_59 = arith.constant 16 : i32
      %eq3A = vector.broadcast %scan3A_48 : i32 to vector<16xi32>
      %eq3A_60 = arith.cmpi eq, %iota3A, %eq3A : vector<16xi32>
      %xor3A = arith.constant 8 : i32
      %xor3A_61 = vector.broadcast %xor3A : i32 to vector<16xi32>
      %xor3A_62 = arith.xori %iota3A, %xor3A_61 : vector<16xi32>
      %broadcast_in_dim3A_63 = vector.shape_cast %xor3A_62 : vector<16xi32> to vector<16x1xi32>
      %gather3A = vector.shape_cast %broadcast_in_dim3A_63 : vector<16x1xi32> to vector<16xi32>
      %gather3A_64 = tpu.dynamic_gather %scan3A_58#0[%gather3A] in [0] : vector<16xf32>, vector<16xi32> -> vector<16xf32>
      %add3A_65 = arith.addf %scan3A_58#0, %gather3A_64 : vector<16xf32>
      %xor3A_66 = arith.constant 4 : i32
      %xor3A_67 = vector.broadcast %xor3A_66 : i32 to vector<16xi32>
      %xor3A_68 = arith.xori %iota3A, %xor3A_67 : vector<16xi32>
      %broadcast_in_dim3A_69 = vector.shape_cast %xor3A_68 : vector<16xi32> to vector<16x1xi32>
      %gather3A_70 = vector.shape_cast %broadcast_in_dim3A_69 : vector<16x1xi32> to vector<16xi32>
      %gather3A_71 = tpu.dynamic_gather %add3A_65[%gather3A_70] in [0] : vector<16xf32>, vector<16xi32> -> vector<16xf32>
      %add3A_72 = arith.addf %add3A_65, %gather3A_71 : vector<16xf32>
      %xor3A_73 = arith.constant 2 : i32
      %xor3A_74 = vector.broadcast %xor3A_73 : i32 to vector<16xi32>
      %xor3A_75 = arith.xori %iota3A, %xor3A_74 : vector<16xi32>
      %broadcast_in_dim3A_76 = vector.shape_cast %xor3A_75 : vector<16xi32> to vector<16x1xi32>
      %gather3A_77 = vector.shape_cast %broadcast_in_dim3A_76 : vector<16x1xi32> to vector<16xi32>
      %gather3A_78 = tpu.dynamic_gather %add3A_72[%gather3A_77] in [0] : vector<16xf32>, vector<16xi32> -> vector<16xf32>
      %add3A_79 = arith.addf %add3A_72, %gather3A_78 : vector<16xf32>
      %xor3A_80 = arith.constant 1 : i32
      %xor3A_81 = vector.broadcast %xor3A_80 : i32 to vector<16xi32>
      %xor3A_82 = arith.xori %iota3A, %xor3A_81 : vector<16xi32>
      %broadcast_in_dim3A_83 = vector.shape_cast %xor3A_82 : vector<16xi32> to vector<16x1xi32>
      %gather3A_84 = vector.shape_cast %broadcast_in_dim3A_83 : vector<16x1xi32> to vector<16xi32>
      %gather3A_85 = tpu.dynamic_gather %add3A_79[%gather3A_84] in [0] : vector<16xf32>, vector<16xi32> -> vector<16xf32>
      %add3A_86 = arith.addf %add3A_79, %gather3A_85 : vector<16xf32>
      %select_n3A = arith.select %eq3A_60, %add3A_86, %scan3A_49 : vector<16xi1>, vector<16xf32>
      %xor3A_87 = arith.constant 8 : i32
      %xor3A_88 = vector.broadcast %xor3A_87 : i32 to vector<16xi32>
      %xor3A_89 = arith.xori %iota3A, %xor3A_88 : vector<16xi32>
      %broadcast_in_dim3A_90 = vector.shape_cast %xor3A_89 : vector<16xi32> to vector<16x1xi32>
      %gather3A_91 = vector.shape_cast %broadcast_in_dim3A_90 : vector<16x1xi32> to vector<16xi32>
      %gather3A_92 = tpu.dynamic_gather %scan3A_58#1[%gather3A_91] in [0] : vector<16xf32>, vector<16xi32> -> vector<16xf32>
      %add3A_93 = arith.addf %scan3A_58#1, %gather3A_92 : vector<16xf32>
      %xor3A_94 = arith.constant 4 : i32
      %xor3A_95 = vector.broadcast %xor3A_94 : i32 to vector<16xi32>
      %xor3A_96 = arith.xori %iota3A, %xor3A_95 : vector<16xi32>
      %broadcast_in_dim3A_97 = vector.shape_cast %xor3A_96 : vector<16xi32> to vector<16x1xi32>
      %gather3A_98 = vector.shape_cast %broadcast_in_dim3A_97 : vector<16x1xi32> to vector<16xi32>
      %gather3A_99 = tpu.dynamic_gather %add3A_93[%gather3A_98] in [0] : vector<16xf32>, vector<16xi32> -> vector<16xf32>
      %add3A_100 = arith.addf %add3A_93, %gather3A_99 : vector<16xf32>
      %xor3A_101 = arith.constant 2 : i32
      %xor3A_102 = vector.broadcast %xor3A_101 : i32 to vector<16xi32>
      %xor3A_103 = arith.xori %iota3A, %xor3A_102 : vector<16xi32>
      %broadcast_in_dim3A_104 = vector.shape_cast %xor3A_103 : vector<16xi32> to vector<16x1xi32>
      %gather3A_105 = vector.shape_cast %broadcast_in_dim3A_104 : vector<16x1xi32> to vector<16xi32>
      %gather3A_106 = tpu.dynamic_gather %add3A_100[%gather3A_105] in [0] : vector<16xf32>, vector<16xi32> -> vector<16xf32>
      %add3A_107 = arith.addf %add3A_100, %gather3A_106 : vector<16xf32>
      %xor3A_108 = arith.constant 1 : i32
      %xor3A_109 = vector.broadcast %xor3A_108 : i32 to vector<16xi32>
      %xor3A_110 = arith.xori %iota3A, %xor3A_109 : vector<16xi32>
      %broadcast_in_dim3A_111 = vector.shape_cast %xor3A_110 : vector<16xi32> to vector<16x1xi32>
      %gather3A_112 = vector.shape_cast %broadcast_in_dim3A_111 : vector<16x1xi32> to vector<16xi32>
      %gather3A_113 = tpu.dynamic_gather %add3A_107[%gather3A_112] in [0] : vector<16xf32>, vector<16xi32> -> vector<16xf32>
      %add3A_114 = arith.addf %add3A_107, %gather3A_113 : vector<16xf32>
      %select_n3A_115 = arith.select %eq3A_60, %add3A_114, %scan3A_50 : vector<16xi1>, vector<16xf32>
      %xor3A_116 = arith.constant 8 : i32
      %xor3A_117 = vector.broadcast %xor3A_116 : i32 to vector<16xi32>
      %xor3A_118 = arith.xori %iota3A, %xor3A_117 : vector<16xi32>
      %broadcast_in_dim3A_119 = vector.shape_cast %xor3A_118 : vector<16xi32> to vector<16x1xi32>
      %gather3A_120 = vector.shape_cast %broadcast_in_dim3A_119 : vector<16x1xi32> to vector<16xi32>
      %gather3A_121 = tpu.dynamic_gather %scan3A_58#2[%gather3A_120] in [0] : vector<16xf32>, vector<16xi32> -> vector<16xf32>
      %add3A_122 = arith.addf %scan3A_58#2, %gather3A_121 : vector<16xf32>
      %xor3A_123 = arith.constant 4 : i32
      %xor3A_124 = vector.broadcast %xor3A_123 : i32 to vector<16xi32>
      %xor3A_125 = arith.xori %iota3A, %xor3A_124 : vector<16xi32>
      %broadcast_in_dim3A_126 = vector.shape_cast %xor3A_125 : vector<16xi32> to vector<16x1xi32>
      %gather3A_127 = vector.shape_cast %broadcast_in_dim3A_126 : vector<16x1xi32> to vector<16xi32>
      %gather3A_128 = tpu.dynamic_gather %add3A_122[%gather3A_127] in [0] : vector<16xf32>, vector<16xi32> -> vector<16xf32>
      %add3A_129 = arith.addf %add3A_122, %gather3A_128 : vector<16xf32>
      %xor3A_130 = arith.constant 2 : i32
      %xor3A_131 = vector.broadcast %xor3A_130 : i32 to vector<16xi32>
      %xor3A_132 = arith.xori %iota3A, %xor3A_131 : vector<16xi32>
      %broadcast_in_dim3A_133 = vector.shape_cast %xor3A_132 : vector<16xi32> to vector<16x1xi32>
      %gather3A_134 = vector.shape_cast %broadcast_in_dim3A_133 : vector<16x1xi32> to vector<16xi32>
      %gather3A_135 = tpu.dynamic_gather %add3A_129[%gather3A_134] in [0] : vector<16xf32>, vector<16xi32> -> vector<16xf32>
      %add3A_136 = arith.addf %add3A_129, %gather3A_135 : vector<16xf32>
      %xor3A_137 = arith.constant 1 : i32
      %xor3A_138 = vector.broadcast %xor3A_137 : i32 to vector<16xi32>
      %xor3A_139 = arith.xori %iota3A, %xor3A_138 : vector<16xi32>
      %broadcast_in_dim3A_140 = vector.shape_cast %xor3A_139 : vector<16xi32> to vector<16x1xi32>
      %gather3A_141 = vector.shape_cast %broadcast_in_dim3A_140 : vector<16x1xi32> to vector<16xi32>
      %gather3A_142 = tpu.dynamic_gather %add3A_136[%gather3A_141] in [0] : vector<16xf32>, vector<16xi32> -> vector<16xf32>
      %add3A_143 = arith.addf %add3A_136, %gather3A_142 : vector<16xf32>
      %select_n3A_144 = arith.select %eq3A_60, %add3A_143, %scan3A_51 : vector<16xi1>, vector<16xf32>
      scf.yield %select_n3A, %select_n3A_115, %select_n3A_144 : vector<16xf32>, vector<16xf32>, vector<16xf32>
    }
    %scan3A_18 = arith.constant 16 : i32
    %swap3A = arith.constant 0 : index
    %swap3A_19 = tpu.vector_load %arg13[%swap3A] {strides = array<i32>} : memref<32xf32, #tpu.memory_space<vmem>>, vector<16xf32>,
    %swap3A_20 = vector.shape_cast %swap3A_19 : vector<16xf32> to vector<16xf32>
    %swap3A_21 = vector.shape_cast %scan3A_17#0 : vector<16xf32> to vector<16xf32>
    tpu.vector_store %arg13[%swap3A], %swap3A_21 {strides = array<i32>} : memref<32xf32, #tpu.memory_space<vmem>>, vector<16xf32>,
    %swap3A_22 = arith.constant 0 : index
    %swap3A_23 = tpu.vector_load %arg14[%swap3A_22] {strides = array<i32>} : memref<32xf32, #tpu.memory_space<vmem>>, vector<16xf32>,
    %swap3A_24 = vector.shape_cast %swap3A_23 : vector<16xf32> to vector<16xf32>
    %swap3A_25 = vector.shape_cast %scan3A_17#1 : vector<16xf32> to vector<16xf32>
    tpu.vector_store %arg14[%swap3A_22], %swap3A_25 {strides = array<i32>} : memref<32xf32, #tpu.memory_space<vmem>>, vector<16xf32>,
    %swap3A_26 = arith.constant 0 : index
    %swap3A_27 = tpu.vector_load %arg15[%swap3A_26] {strides = array<i32>} : memref<32xf32, #tpu.memory_space<vmem>>, vector<16xf32>,
    %swap3A_28 = vector.shape_cast %swap3A_27 : vector<16xf32> to vector<16xf32>
    %swap3A_29 = vector.shape_cast %scan3A_17#2 : vector<16xf32> to vector<16xf32>
    tpu.vector_store %arg15[%swap3A_26], %swap3A_29 {strides = array<i32>} : memref<32xf32, #tpu.memory_space<vmem>>, vector<16xf32>,
    %scan3A_30 = arith.constant 0 : i32
    %scan3A_31 = arith.constant 16 : i32
    %scan3A_32 = arith.addi %scan3A_30, %scan3A_31 : i32
    %scan3A_33 = arith.constant 1 : i32
    %scan3A_34:3 = scf.for %scan3A_48 = %scan3A_30 to %scan3A_32 step %scan3A_33 iter_args(%scan3A_49 = %broadcast_in_dim3A_13, %scan3A_50 = %broadcast_in_dim3A_13, %scan3A_51 = %broadcast_in_dim3A_13) -> (vector<16xf32>, vector<16xf32>, vector<16xf32>)  : i32 {
      %add3A_52 = arith.constant 16 : i32
      %add3A_53 = arith.addi %add3A_52, %scan3A_48 : i32
      %scan3A_54 = arith.constant 0 : i32
      %scan3A_55 = arith.constant 16 : i32
      %scan3A_56 = arith.addi %scan3A_54, %scan3A_55 : i32
      %scan3A_57 = arith.constant 1 : i32
      %scan3A_58:3 = scf.for %scan3A_145 = %scan3A_54 to %scan3A_56 step %scan3A_57 iter_args(%scan3A_146 = %broadcast_in_dim3A_13, %scan3A_147 = %broadcast_in_dim3A_13, %scan3A_148 = %broadcast_in_dim3A_13) -> (vector<16xf32>, vector<16xf32>, vector<16xf32>)  : i32 {
        %mul3A_149 = arith.constant 16 : i32
        %mul3A_150 = arith.muli %scan3A_145, %mul3A_149 : i32
        %get3A = arith.index_cast %add3A_53 : i32 to index
        %get3A_151 = arith.index_cast %mul3A_150 : i32 to index
        %get3A_152 = tpu.vector_load %arg10[%get3A, %get3A_151] {strides = array<i32>} : memref<32x256xf32, #tpu.memory_space<vmem>>, vector<1x16xf32>,
        %get3A_153 = vector.shape_cast %get3A_152 : vector<1x16xf32> to vector<16xf32>
        %mul3A_154 = arith.constant 16 : i32
        %mul3A_155 = arith.muli %scan3A_145, %mul3A_154 : i32
        %get3A_156 = arith.index_cast %add3A_53 : i32 to index
        %get3A_157 = arith.index_cast %mul3A_155 : i32 to index
        %get3A_158 = tpu.vector_load %arg11[%get3A_156, %get3A_157] {strides = array<i32>} : memref<32x256xf32, #tpu.memory_space<vmem>>, vector<1x16xf32>,
        %get3A_159 = vector.shape_cast %get3A_158 : vector<1x16xf32> to vector<16xf32>
        %mul3A_160 = arith.mulf %get3A_153, %get3A_159 : vector<16xf32>
        %add3A_161 = arith.addf %scan3A_146, %mul3A_160 : vector<16xf32>
        %mul3A_162 = arith.constant 16 : i32
        %mul3A_163 = arith.muli %scan3A_145, %mul3A_162 : i32
        %get3A_164 = arith.index_cast %add3A_53 : i32 to index
        %get3A_165 = arith.index_cast %mul3A_163 : i32 to index
        %get3A_166 = tpu.vector_load %arg12[%get3A_164, %get3A_165] {strides = array<i32>} : memref<32x256xf32, #tpu.memory_space<vmem>>, vector<1x16xf32>,
        %get3A_167 = vector.shape_cast %get3A_166 : vector<1x16xf32> to vector<16xf32>
        %mul3A_168 = arith.mulf %get3A_153, %get3A_167 : vector<16xf32>
        %add3A_169 = arith.addf %scan3A_147, %mul3A_168 : vector<16xf32>
        %mul3A_170 = arith.mulf %get3A_153, %get3A_153 : vector<16xf32>
        %add3A_171 = arith.addf %scan3A_148, %mul3A_170 : vector<16xf32>
        scf.yield %add3A_161, %add3A_169, %add3A_171 : vector<16xf32>, vector<16xf32>, vector<16xf32>
      }
      %scan3A_59 = arith.constant 16 : i32
      %eq3A = vector.broadcast %scan3A_48 : i32 to vector<16xi32>
      %eq3A_60 = arith.cmpi eq, %iota3A, %eq3A : vector<16xi32>
      %xor3A = arith.constant 8 : i32
      %xor3A_61 = vector.broadcast %xor3A : i32 to vector<16xi32>
      %xor3A_62 = arith.xori %iota3A, %xor3A_61 : vector<16xi32>
      %broadcast_in_dim3A_63 = vector.shape_cast %xor3A_62 : vector<16xi32> to vector<16x1xi32>
      %gather3A = vector.shape_cast %broadcast_in_dim3A_63 : vector<16x1xi32> to vector<16xi32>
      %gather3A_64 = tpu.dynamic_gather %scan3A_58#0[%gather3A] in [0] : vector<16xf32>, vector<16xi32> -> vector<16xf32>
      %add3A_65 = arith.addf %scan3A_58#0, %gather3A_64 : vector<16xf32>
      %xor3A_66 = arith.constant 4 : i32
      %xor3A_67 = vector.broadcast %xor3A_66 : i32 to vector<16xi32>
      %xor3A_68 = arith.xori %iota3A, %xor3A_67 : vector<16xi32>
      %broadcast_in_dim3A_69 = vector.shape_cast %xor3A_68 : vector<16xi32> to vector<16x1xi32>
      %gather3A_70 = vector.shape_cast %broadcast_in_dim3A_69 : vector<16x1xi32> to vector<16xi32>
      %gather3A_71 = tpu.dynamic_gather %add3A_65[%gather3A_70] in [0] : vector<16xf32>, vector<16xi32> -> vector<16xf32>
      %add3A_72 = arith.addf %add3A_65, %gather3A_71 : vector<16xf32>
      %xor3A_73 = arith.constant 2 : i32
      %xor3A_74 = vector.broadcast %xor3A_73 : i32 to vector<16xi32>
      %xor3A_75 = arith.xori %iota3A, %xor3A_74 : vector<16xi32>
      %broadcast_in_dim3A_76 = vector.shape_cast %xor3A_75 : vector<16xi32> to vector<16x1xi32>
      %gather3A_77 = vector.shape_cast %broadcast_in_dim3A_76 : vector<16x1xi32> to vector<16xi32>
      %gather3A_78 = tpu.dynamic_gather %add3A_72[%gather3A_77] in [0] : vector<16xf32>, vector<16xi32> -> vector<16xf32>
      %add3A_79 = arith.addf %add3A_72, %gather3A_78 : vector<16xf32>
      %xor3A_80 = arith.constant 1 : i32
      %xor3A_81 = vector.broadcast %xor3A_80 : i32 to vector<16xi32>
      %xor3A_82 = arith.xori %iota3A, %xor3A_81 : vector<16xi32>
      %broadcast_in_dim3A_83 = vector.shape_cast %xor3A_82 : vector<16xi32> to vector<16x1xi32>
      %gather3A_84 = vector.shape_cast %broadcast_in_dim3A_83 : vector<16x1xi32> to vector<16xi32>
      %gather3A_85 = tpu.dynamic_gather %add3A_79[%gather3A_84] in [0] : vector<16xf32>, vector<16xi32> -> vector<16xf32>
      %add3A_86 = arith.addf %add3A_79, %gather3A_85 : vector<16xf32>
      %select_n3A = arith.select %eq3A_60, %add3A_86, %scan3A_49 : vector<16xi1>, vector<16xf32>
      %xor3A_87 = arith.constant 8 : i32
      %xor3A_88 = vector.broadcast %xor3A_87 : i32 to vector<16xi32>
      %xor3A_89 = arith.xori %iota3A, %xor3A_88 : vector<16xi32>
      %broadcast_in_dim3A_90 = vector.shape_cast %xor3A_89 : vector<16xi32> to vector<16x1xi32>
      %gather3A_91 = vector.shape_cast %broadcast_in_dim3A_90 : vector<16x1xi32> to vector<16xi32>
      %gather3A_92 = tpu.dynamic_gather %scan3A_58#1[%gather3A_91] in [0] : vector<16xf32>, vector<16xi32> -> vector<16xf32>
      %add3A_93 = arith.addf %scan3A_58#1, %gather3A_92 : vector<16xf32>
      %xor3A_94 = arith.constant 4 : i32
      %xor3A_95 = vector.broadcast %xor3A_94 : i32 to vector<16xi32>
      %xor3A_96 = arith.xori %iota3A, %xor3A_95 : vector<16xi32>
      %broadcast_in_dim3A_97 = vector.shape_cast %xor3A_96 : vector<16xi32> to vector<16x1xi32>
      %gather3A_98 = vector.shape_cast %broadcast_in_dim3A_97 : vector<16x1xi32> to vector<16xi32>
      %gather3A_99 = tpu.dynamic_gather %add3A_93[%gather3A_98] in [0] : vector<16xf32>, vector<16xi32> -> vector<16xf32>
      %add3A_100 = arith.addf %add3A_93, %gather3A_99 : vector<16xf32>
      %xor3A_101 = arith.constant 2 : i32
      %xor3A_102 = vector.broadcast %xor3A_101 : i32 to vector<16xi32>
      %xor3A_103 = arith.xori %iota3A, %xor3A_102 : vector<16xi32>
      %broadcast_in_dim3A_104 = vector.shape_cast %xor3A_103 : vector<16xi32> to vector<16x1xi32>
      %gather3A_105 = vector.shape_cast %broadcast_in_dim3A_104 : vector<16x1xi32> to vector<16xi32>
      %gather3A_106 = tpu.dynamic_gather %add3A_100[%gather3A_105] in [0] : vector<16xf32>, vector<16xi32> -> vector<16xf32>
      %add3A_107 = arith.addf %add3A_100, %gather3A_106 : vector<16xf32>
      %xor3A_108 = arith.constant 1 : i32
      %xor3A_109 = vector.broadcast %xor3A_108 : i32 to vector<16xi32>
      %xor3A_110 = arith.xori %iota3A, %xor3A_109 : vector<16xi32>
      %broadcast_in_dim3A_111 = vector.shape_cast %xor3A_110 : vector<16xi32> to vector<16x1xi32>
      %gather3A_112 = vector.shape_cast %broadcast_in_dim3A_111 : vector<16x1xi32> to vector<16xi32>
      %gather3A_113 = tpu.dynamic_gather %add3A_107[%gather3A_112] in [0] : vector<16xf32>, vector<16xi32> -> vector<16xf32>
      %add3A_114 = arith.addf %add3A_107, %gather3A_113 : vector<16xf32>
      %select_n3A_115 = arith.select %eq3A_60, %add3A_114, %scan3A_50 : vector<16xi1>, vector<16xf32>
      %xor3A_116 = arith.constant 8 : i32
      %xor3A_117 = vector.broadcast %xor3A_116 : i32 to vector<16xi32>
      %xor3A_118 = arith.xori %iota3A, %xor3A_117 : vector<16xi32>
      %broadcast_in_dim3A_119 = vector.shape_cast %xor3A_118 : vector<16xi32> to vector<16x1xi32>
      %gather3A_120 = vector.shape_cast %broadcast_in_dim3A_119 : vector<16x1xi32> to vector<16xi32>
      %gather3A_121 = tpu.dynamic_gather %scan3A_58#2[%gather3A_120] in [0] : vector<16xf32>, vector<16xi32> -> vector<16xf32>
      %add3A_122 = arith.addf %scan3A_58#2, %gather3A_121 : vector<16xf32>
      %xor3A_123 = arith.constant 4 : i32
      %xor3A_124 = vector.broadcast %xor3A_123 : i32 to vector<16xi32>
      %xor3A_125 = arith.xori %iota3A, %xor3A_124 : vector<16xi32>
      %broadcast_in_dim3A_126 = vector.shape_cast %xor3A_125 : vector<16xi32> to vector<16x1xi32>
      %gather3A_127 = vector.shape_cast %broadcast_in_dim3A_126 : vector<16x1xi32> to vector<16xi32>
      %gather3A_128 = tpu.dynamic_gather %add3A_122[%gather3A_127] in [0] : vector<16xf32>, vector<16xi32> -> vector<16xf32>
      %add3A_129 = arith.addf %add3A_122, %gather3A_128 : vector<16xf32>
      %xor3A_130 = arith.constant 2 : i32
      %xor3A_131 = vector.broadcast %xor3A_130 : i32 to vector<16xi32>
      %xor3A_132 = arith.xori %iota3A, %xor3A_131 : vector<16xi32>
      %broadcast_in_dim3A_133 = vector.shape_cast %xor3A_132 : vector<16xi32> to vector<16x1xi32>
      %gather3A_134 = vector.shape_cast %broadcast_in_dim3A_133 : vector<16x1xi32> to vector<16xi32>
      %gather3A_135 = tpu.dynamic_gather %add3A_129[%gather3A_134] in [0] : vector<16xf32>, vector<16xi32> -> vector<16xf32>
      %add3A_136 = arith.addf %add3A_129, %gather3A_135 : vector<16xf32>
      %xor3A_137 = arith.constant 1 : i32
      %xor3A_138 = vector.broadcast %xor3A_137 : i32 to vector<16xi32>
      %xor3A_139 = arith.xori %iota3A, %xor3A_138 : vector<16xi32>
      %broadcast_in_dim3A_140 = vector.shape_cast %xor3A_139 : vector<16xi32> to vector<16x1xi32>
      %gather3A_141 = vector.shape_cast %broadcast_in_dim3A_140 : vector<16x1xi32> to vector<16xi32>
      %gather3A_142 = tpu.dynamic_gather %add3A_136[%gather3A_141] in [0] : vector<16xf32>, vector<16xi32> -> vector<16xf32>
      %add3A_143 = arith.addf %add3A_136, %gather3A_142 : vector<16xf32>
      %select_n3A_144 = arith.select %eq3A_60, %add3A_143, %scan3A_51 : vector<16xi1>, vector<16xf32>
      scf.yield %select_n3A, %select_n3A_115, %select_n3A_144 : vector<16xf32>, vector<16xf32>, vector<16xf32>
    }
    %scan3A_35 = arith.constant 16 : i32
    %swap3A_36 = arith.constant 16 : index
    %swap3A_37 = tpu.vector_load %arg13[%swap3A_36] {strides = array<i32>} : memref<32xf32, #tpu.memory_space<vmem>>, vector<16xf32>,
    %swap3A_38 = vector.shape_cast %swap3A_37 : vector<16xf32> to vector<16xf32>
    %swap3A_39 = vector.shape_cast %scan3A_34#0 : vector<16xf32> to vector<16xf32>
    tpu.vector_store %arg13[%swap3A_36], %swap3A_39 {strides = array<i32>} : memref<32xf32, #tpu.memory_space<vmem>>, vector<16xf32>,
    %swap3A_40 = arith.constant 16 : index
    %swap3A_41 = tpu.vector_load %arg14[%swap3A_40] {strides = array<i32>} : memref<32xf32, #tpu.memory_space<vmem>>, vector<16xf32>,
    %swap3A_42 = vector.shape_cast %swap3A_41 : vector<16xf32> to vector<16xf32>
    %swap3A_43 = vector.shape_cast %scan3A_34#1 : vector<16xf32> to vector<16xf32>
    tpu.vector_store %arg14[%swap3A_40], %swap3A_43 {strides = array<i32>} : memref<32xf32, #tpu.memory_space<vmem>>, vector<16xf32>,
    %swap3A_44 = arith.constant 16 : index
    %swap3A_45 = tpu.vector_load %arg15[%swap3A_44] {strides = array<i32>} : memref<32xf32, #tpu.memory_space<vmem>>, vector<16xf32>,
    %swap3A_46 = vector.shape_cast %swap3A_45 : vector<16xf32> to vector<16xf32>
    %swap3A_47 = vector.shape_cast %scan3A_34#2 : vector<16xf32> to vector<16xf32>
    tpu.vector_store %arg15[%swap3A_44], %swap3A_47 {strides = array<i32>} : memref<32xf32, #tpu.memory_space<vmem>>, vector<16xf32>,
    "tpu.region"() ({
      %run_scoped3A = tpu.sem_alloc : memref<!tpu.dma_semaphore, #tpu.memory_space<semaphore_mem>>
      %dma_start3A_48 = tpu.memref_slice %arg6[%mul3A_2] : memref<1024xf32, #tpu.memory_space<hbm>> -> memref<32xf32, #tpu.memory_space<hbm>>
      %dma_start3A_49 = tpu.memref_slice %arg6[%mul3A_2] : memref<1024xf32, #tpu.memory_space<hbm>> -> memref<32xf32, #tpu.memory_space<hbm>>
      tpu.enqueue_dma source(%arg13 : memref<32xf32, #tpu.memory_space<vmem>>) target(%dma_start3A_49 : memref<32xf32, #tpu.memory_space<hbm>>) target_semaphore(%run_scoped3A : memref<!tpu.dma_semaphore, #tpu.memory_space<semaphore_mem>>)
      %dma_wait3A_50 = tpu.memref_slice %arg6[%mul3A_2] : memref<1024xf32, #tpu.memory_space<hbm>> -> memref<32xf32, #tpu.memory_space<hbm>>
      %dma_wait3A_51 = tpu.memref_slice %arg6[%mul3A_2] : memref<1024xf32, #tpu.memory_space<hbm>> -> memref<32xf32, #tpu.memory_space<hbm>>
      tpu.wait_dma2 semaphore(%run_scoped3A : memref<!tpu.dma_semaphore, #tpu.memory_space<semaphore_mem>>) src(%arg13 : memref<32xf32, #tpu.memory_space<vmem>>) dst(%dma_wait3A_51 : memref<32xf32, #tpu.memory_space<hbm>>)
      tpu.yield
    }) : () -> ()
    "tpu.region"() ({
      %run_scoped3A = tpu.sem_alloc : memref<!tpu.dma_semaphore, #tpu.memory_space<semaphore_mem>>
      %dma_start3A_48 = tpu.memref_slice %arg7[%mul3A_2] : memref<1024xf32, #tpu.memory_space<hbm>> -> memref<32xf32, #tpu.memory_space<hbm>>
      %dma_start3A_49 = tpu.memref_slice %arg7[%mul3A_2] : memref<1024xf32, #tpu.memory_space<hbm>> -> memref<32xf32, #tpu.memory_space<hbm>>
      tpu.enqueue_dma source(%arg14 : memref<32xf32, #tpu.memory_space<vmem>>) target(%dma_start3A_49 : memref<32xf32, #tpu.memory_space<hbm>>) target_semaphore(%run_scoped3A : memref<!tpu.dma_semaphore, #tpu.memory_space<semaphore_mem>>)
      %dma_wait3A_50 = tpu.memref_slice %arg7[%mul3A_2] : memref<1024xf32, #tpu.memory_space<hbm>> -> memref<32xf32, #tpu.memory_space<hbm>>
      %dma_wait3A_51 = tpu.memref_slice %arg7[%mul3A_2] : memref<1024xf32, #tpu.memory_space<hbm>> -> memref<32xf32, #tpu.memory_space<hbm>>
      tpu.wait_dma2 semaphore(%run_scoped3A : memref<!tpu.dma_semaphore, #tpu.memory_space<semaphore_mem>>) src(%arg14 : memref<32xf32, #tpu.memory_space<vmem>>) dst(%dma_wait3A_51 : memref<32xf32, #tpu.memory_space<hbm>>)
      tpu.yield
    }) : () -> ()
    "tpu.region"() ({
      %run_scoped3A = tpu.sem_alloc : memref<!tpu.dma_semaphore, #tpu.memory_space<semaphore_mem>>
      %dma_start3A_48 = tpu.memref_slice %arg8[%mul3A_2] : memref<1024xf32, #tpu.memory_space<hbm>> -> memref<32xf32, #tpu.memory_space<hbm>>
      %dma_start3A_49 = tpu.memref_slice %arg8[%mul3A_2] : memref<1024xf32, #tpu.memory_space<hbm>> -> memref<32xf32, #tpu.memory_space<hbm>>
      tpu.enqueue_dma source(%arg15 : memref<32xf32, #tpu.memory_space<vmem>>) target(%dma_start3A_49 : memref<32xf32, #tpu.memory_space<hbm>>) target_semaphore(%run_scoped3A : memref<!tpu.dma_semaphore, #tpu.memory_space<semaphore_mem>>)
      %dma_wait3A_50 = tpu.memref_slice %arg8[%mul3A_2] : memref<1024xf32, #tpu.memory_space<hbm>> -> memref<32xf32, #tpu.memory_space<hbm>>
      %dma_wait3A_51 = tpu.memref_slice %arg8[%mul3A_2] : memref<1024xf32, #tpu.memory_space<hbm>> -> memref<32xf32, #tpu.memory_space<hbm>>
      tpu.wait_dma2 semaphore(%run_scoped3A : memref<!tpu.dma_semaphore, #tpu.memory_space<semaphore_mem>>) src(%arg15 : memref<32xf32, #tpu.memory_space<vmem>>) dst(%dma_wait3A_51 : memref<32xf32, #tpu.memory_space<hbm>>)
      tpu.yield
    }) : () -> ()
    return
  }
}

module attributes {stable_mosaic.version = 14 : i64} {
  func.func @_finish_body(%arg0: memref<8x1024xf32, #tpu.memory_space<vmem>>, %arg1: memref<1x1024xf32, #tpu.memory_space<vmem>>, %arg2: memref<1x1024xf32, #tpu.memory_space<vmem>>, %arg3: memref<1x1024xf32, #tpu.memory_space<vmem>>, %arg4: memref<1x1xf32, #tpu.memory_space<vmem>>) attributes {dimension_semantics = [], scalar_prefetch = 0 : i64, scratch_operands = 0 : i64, tpu.core_type = #tpu.core_type<tc>} {
    %get3A = arith.constant 0 : index
    %get3A_0 = arith.constant 0 : index
    %get3A_1 = vector.load %arg0[%get3A, %get3A_0] : memref<8x1024xf32, #tpu.memory_space<vmem>>, vector<8x1024xf32>
    %reduce_sum3A = arith.constant dense<0.000000e+00> : vector<1024xf32>
    %reduce_sum3A_2 = vector.multi_reduction <add>, %get3A_1, %reduce_sum3A [0] : vector<8x1024xf32> to vector<1024xf32>
    %broadcast_in_dim3A = vector.shape_cast %reduce_sum3A_2 : vector<1024xf32> to vector<1x1024xf32>
    %get3A_3 = arith.constant 0 : index
    %get3A_4 = arith.constant 0 : index
    %get3A_5 = vector.load %arg3[%get3A_3, %get3A_4] : memref<1x1024xf32, #tpu.memory_space<vmem>>, vector<1x1024xf32>
    %sqrt3A = math.sqrt %get3A_5 : vector<1x1024xf32>
    %add3A = arith.constant 9.99999996E-13 : f32
    %add3A_6 = vector.broadcast %add3A : f32 to vector<1x1024xf32>
    %add3A_7 = arith.addf %sqrt3A, %add3A_6 : vector<1x1024xf32>
    %div3A = arith.constant 1.000000e+00 : f32
    %div3A_8 = vector.broadcast %div3A : f32 to vector<1x1024xf32>
    %div3A_9 = arith.divf %div3A_8, %add3A_7 : vector<1x1024xf32>
    %get3A_10 = arith.constant 0 : index
    %get3A_11 = arith.constant 0 : index
    %get3A_12 = vector.load %arg1[%get3A_10, %get3A_11] : memref<1x1024xf32, #tpu.memory_space<vmem>>, vector<1x1024xf32>
    %mul3A = arith.mulf %get3A_12, %div3A_9 : vector<1x1024xf32>
    %get3A_13 = arith.constant 0 : index
    %get3A_14 = arith.constant 0 : index
    %get3A_15 = vector.load %arg2[%get3A_13, %get3A_14] : memref<1x1024xf32, #tpu.memory_space<vmem>>, vector<1x1024xf32>
    %mul3A_16 = arith.mulf %get3A_15, %div3A_9 : vector<1x1024xf32>
    %mul3A_17 = arith.constant 2.000000e+01 : f32
    %mul3A_18 = vector.broadcast %mul3A_17 : f32 to vector<1x1024xf32>
    %mul3A_19 = arith.mulf %mul3A_16, %mul3A_18 : vector<1x1024xf32>
    %exp3A = math.exp %mul3A_19 : vector<1x1024xf32>
    %sub3A = arith.subf %broadcast_in_dim3A, %exp3A : vector<1x1024xf32>
    %mul3A_20 = arith.constant 2.000000e+01 : f32
    %mul3A_21 = vector.broadcast %mul3A_20 : f32 to vector<1x1024xf32>
    %mul3A_22 = arith.mulf %mul3A, %mul3A_21 : vector<1x1024xf32>
    %exp3A_23 = math.exp %mul3A_22 : vector<1x1024xf32>
    %add3A_24 = arith.addf %sub3A, %exp3A_23 : vector<1x1024xf32>
    %mul3A_25 = arith.constant 2.000000e+01 : f32
    %mul3A_26 = vector.broadcast %mul3A_25 : f32 to vector<1x1024xf32>
    %mul3A_27 = arith.mulf %mul3A, %mul3A_26 : vector<1x1024xf32>
    %log3A = math.log %add3A_24 : vector<1x1024xf32>
    %sub3A_28 = arith.subf %mul3A_27, %log3A : vector<1x1024xf32>
    %reduce_sum3A_29 = vector.shape_cast %sub3A_28 : vector<1x1024xf32> to vector<1x1x1024xf32>
    %reduce_sum3A_30 = arith.constant dense<0.000000e+00> : vector<1xf32>
    %reduce_sum3A_31 = vector.multi_reduction <add>, %reduce_sum3A_29, %reduce_sum3A_30 [1, 2] : vector<1x1x1024xf32> to vector<1xf32>
    %reduce_sum3A_32 = vector.shape_cast %reduce_sum3A_31 : vector<1xf32> to vector<1x1x1xf32>
    %reduce_sum3A_33 = vector.extract %reduce_sum3A_32[0, 0, 0] : f32 from vector<1x1x1xf32>
    %div3A_34 = arith.constant 1.024000e+03 : f32
    %div3A_35 = arith.divf %reduce_sum3A_33, %div3A_34 : f32
    %neg3A = arith.constant 0.000000e+00 : f32
    %neg3A_36 = arith.subf %neg3A, %div3A_35 : f32
    %reshape3A = vector.broadcast %neg3A_36 : f32 to vector<1x1xf32>
    %swap3A = arith.constant 0 : index
    %swap3A_37 = arith.constant 0 : index
    %swap3A_38 = vector.load %arg4[%swap3A, %swap3A_37] : memref<1x1xf32, #tpu.memory_space<vmem>>, vector<1x1xf32>
    tpu.vector_store %arg4[%swap3A, %swap3A_37], %reshape3A {strides = array<i32>} : memref<1x1xf32, #tpu.memory_space<vmem>>, vector<1x1xf32>,
    return
  }
}

module attributes {stable_mosaic.version = 14 : i64} {
  func.func @_stream_body(%arg0: i32, %arg1: memref<1024x256xf32, #tpu.memory_space<vmem>>, %arg2: memref<5000x256xf32, #tpu.memory_space<vmem>>, %arg3: memref<8x1024xf32, #tpu.memory_space<vmem>>, %arg4: memref<1024x256xbf16, #tpu.memory_space<vmem>>) attributes {dimension_semantics = [#tpu.dimension_semantics<arbitrary>], iteration_bounds = array<i64: 20>, scalar_prefetch = 0 : i64, scratch_operands = 1 : i64, tpu.core_type = #tpu.core_type<tc>, window_params = [{pipeline_mode = #tpu.pipeline_mode<synchronous>, transform_indices = @transform_0, window_bounds = array<i64: 1024, 256>}, {transform_indices = @transform_1, window_bounds = array<i64: 5000, 256>}, {pipeline_mode = #tpu.pipeline_mode<synchronous>, transform_indices = @transform_2, window_bounds = array<i64: 8, 1024>}]} {
    %eq3A = arith.constant 0 : i32
    %eq3A_0 = arith.cmpi eq, %arg0, %eq3A : i32
    %convert_element_type3A = arith.extui %eq3A_0 : i1 to i32
    %cond3A = arith.constant 0 : i32
    %cond3A_1 = arith.cmpi ne, %convert_element_type3A, %cond3A : i32
    scf.if %cond3A_1 {
      %get3A_15 = arith.constant 0 : index
      %get3A_16 = arith.constant 0 : index
      %get3A_17 = vector.load %arg1[%get3A_15, %get3A_16] : memref<1024x256xf32, #tpu.memory_space<vmem>>, vector<1024x256xf32>
      %mul3A = arith.mulf %get3A_17, %get3A_17 : vector<1024x256xf32>
      %reduce_sum3A_18 = arith.constant dense<0.000000e+00> : vector<1024xf32>
      %reduce_sum3A_19 = vector.multi_reduction <add>, %mul3A, %reduce_sum3A_18 [1] : vector<1024x256xf32> to vector<1024xf32>
      %broadcast_in_dim3A = vector.shape_cast %reduce_sum3A_19 : vector<1024xf32> to vector<1024x1xf32>
      %sqrt3A = math.sqrt %broadcast_in_dim3A : vector<1024x1xf32>
      %add3A_20 = arith.constant 9.99999996E-13 : f32
      %add3A_21 = vector.broadcast %add3A_20 : f32 to vector<1024x1xf32>
      %add3A_22 = arith.addf %sqrt3A, %add3A_21 : vector<1024x1xf32>
      %div3A = arith.constant 2.885390e+01 : f32
      %div3A_23 = vector.broadcast %div3A : f32 to vector<1024x1xf32>
      %div3A_24 = arith.divf %div3A_23, %add3A_22 : vector<1024x1xf32>
      %mul3A_25 = vector.broadcast %div3A_24 : vector<1024x1xf32> to vector<1024x256xf32>
      %mul3A_26 = arith.mulf %get3A_17, %mul3A_25 : vector<1024x256xf32>
      %convert_element_type3A_27 = arith.truncf %mul3A_26 : vector<1024x256xf32> to vector<1024x256xbf16>
      %swap3A_28 = arith.constant 0 : index
      %swap3A_29 = arith.constant 0 : index
      %swap3A_30 = vector.load %arg4[%swap3A_28, %swap3A_29] : memref<1024x256xbf16, #tpu.memory_space<vmem>>, vector<1024x256xbf16>
      tpu.vector_store %arg4[%swap3A_28, %swap3A_29], %convert_element_type3A_27 {strides = array<i32>} : memref<1024x256xbf16, #tpu.memory_space<vmem>>, vector<1024x256xbf16>,
      %broadcast_in_dim3A_31 = arith.constant 0.000000e+00 : f32
      %broadcast_in_dim3A_32 = vector.broadcast %broadcast_in_dim3A_31 : f32 to vector<8x1024xf32>
      %swap3A_33 = arith.constant 0 : index
      %swap3A_34 = arith.constant 0 : index
      %swap3A_35 = vector.load %arg3[%swap3A_33, %swap3A_34] : memref<8x1024xf32, #tpu.memory_space<vmem>>, vector<8x1024xf32>
      tpu.vector_store %arg3[%swap3A_33, %swap3A_34], %broadcast_in_dim3A_32 {strides = array<i32>} : memref<8x1024xf32, #tpu.memory_space<vmem>>, vector<8x1024xf32>,
    } else {
    }
    %get3A = arith.constant 0 : index
    %get3A_2 = arith.constant 0 : index
    %get3A_3 = vector.load %arg2[%get3A, %get3A_2] : memref<5000x256xf32, #tpu.memory_space<vmem>>, vector<5000x256xf32>
    %convert_element_type3A_4 = arith.truncf %get3A_3 : vector<5000x256xf32> to vector<5000x256xbf16>
    %get3A_5 = arith.constant 0 : index
    %get3A_6 = arith.constant 0 : index
    %get3A_7 = vector.load %arg4[%get3A_5, %get3A_6] : memref<1024x256xbf16, #tpu.memory_space<vmem>>, vector<1024x256xbf16>
    %dot_general3A = arith.constant dense<0.000000e+00> : vector<5000x1024xf32>
    %dot_general3A_8 = tpu.matmul %convert_element_type3A_4, %get3A_7, %dot_general3A {dimension_numbers = #tpu.dot_dimension_numbers<[1], [1], [0], [0], [0, 0, 1, 0], [], []>, transpose_lhs_hint = false} : vector<5000x256xbf16>, vector<1024x256xbf16>, vector<5000x1024xf32> -> vector<5000x1024xf32>
    %exp23A = math.exp2 %dot_general3A_8 : vector<5000x1024xf32>
    %reshape3A = vector.shape_cast %exp23A : vector<5000x1024xf32> to vector<625x8x1024xf32>
    %get3A_9 = arith.constant 0 : index
    %get3A_10 = arith.constant 0 : index
    %get3A_11 = vector.load %arg3[%get3A_9, %get3A_10] : memref<8x1024xf32, #tpu.memory_space<vmem>>, vector<8x1024xf32>
    %reduce_sum3A = arith.constant dense<0.000000e+00> : vector<8x1024xf32>
    %reduce_sum3A_12 = vector.multi_reduction <add>, %reshape3A, %reduce_sum3A [0] : vector<625x8x1024xf32> to vector<8x1024xf32>
    %add3A = arith.addf %get3A_11, %reduce_sum3A_12 : vector<8x1024xf32>
    %swap3A = arith.constant 0 : index
    %swap3A_13 = arith.constant 0 : index
    %swap3A_14 = vector.load %arg3[%swap3A, %swap3A_13] : memref<8x1024xf32, #tpu.memory_space<vmem>>, vector<8x1024xf32>
    tpu.vector_store %arg3[%swap3A, %swap3A_13], %add3A {strides = array<i32>} : memref<8x1024xf32, #tpu.memory_space<vmem>>, vector<8x1024xf32>,
    return
  }
  func.func @transform_0(%arg0: i32) -> (i32, i32) {
    %c0_i32 = arith.constant 0 : i32
    %c0_i32_0 = arith.constant 0 : i32
    %c0_i32_1 = arith.constant 0 : i32
    return %c0_i32, %c0_i32_0 : i32, i32
  }
  func.func @transform_1(%arg0: i32) -> (i32, i32) {
    %c0_i32 = arith.constant 0 : i32
    %c0_i32_0 = arith.constant 0 : i32
    return %arg0, %c0_i32 : i32, i32
  }
  func.func @transform_2(%arg0: i32) -> (i32, i32) {
    %c0_i32 = arith.constant 0 : i32
    %c0_i32_0 = arith.constant 0 : i32
    %c0_i32_1 = arith.constant 0 : i32
    return %c0_i32, %c0_i32_0 : i32, i32
  }
}

</mosaic_0001>

<sc_bundles>
// kernel: kernel.5.cloned.1.call-start
scs
__scs_entry_jumppad:
0x0: {  	(pc) =	sbr.rel $0x88, $3  }
0x1: {  	(tag) =	ssettag $0x0;
	lr =	simm.s32 $0x1  }
0x2: {  	[smem:$0x3F9D] =	sst lr;
	_ =	strace $0xD0000000  }
0x3: {  	_ = 	snop  }
0x4: {  	_ = 	snop  }
0x5: {  	_ = 	snop  }
0x6: {  	_ = 	snop  }
0x7: {  	_ = 	snop  }
__scs_overlays_trampoline_lowered:
0x8: {  	[smem:$0x3FAC] =	sst s0  }
0x9: {  	[smem:$0x3FAD] =	sst s1  }
0xa: {  	[smem:$0x3FAE] =	sst s2  }
0xb: {  	[smem:$0x3FAF] =	sst s3  }
0xc: {  	[smem:$0x3FB0] =	sst s4  }
0xd: {  	[smem:$0x3FB1] =	sst s5  }
0xe: {  	[smem:$0x3FB2] =	sst s6  }
0xf: {  	[smem:$0x3FB3] =	sst s7  }
0x10: {  	[smem:$0x3FB4] =	sst s8  }
0x11: {  	[smem:$0x3FB5] =	sst s9;
	s0 =	simm.s32 @!p0 $0x0  }
0x12: {  	s1 =	sld [smem:$0x3F9B];
	s0 =	simm.s32 @p0 $0x1  }
0x13: {  	[smem:$0x3FB6] =	sst s0;
	s0 =	simm.s32 @!p1 $0x0  }
0x14: {  	s2 =	sld [smem:$0x3F9A];
	s0 =	simm.s32 @p1 $0x1  }
0x15: {  	[smem:$0x3FB7] =	sst s0;
	s0 =	simm.s32 @!p2 $0x0  }
0x16: {  	s3 =	sld [smem:$0x3FDB];
	s0 =	simm.s32 @p2 $0x1  }
0x17: {  	s4 =	simm.s32 $0x1BF5;
	[smem:$0x3FB9] =	sst s0  }
0x18: {  	s0 =	sld [smem:$0x3F9C];
	_ =	swait.ge [sflag:s4], $0x0  }
0x19: {  	s7 =	sld [smem:$0x3F9D]  }
0x1a: {  	s8 =	sadd.s32 $0xFFFFE003, lr  }
0x1b: {  	s9 =	sadd.s32 $0xFFFFFEF7, lr;
	s5 =	simm.s32 $0xFFFFFFFF;
	p2 =	slt.u32 s8, $0xFFFFF086  }
0x1c: {  	p1 =	slt.u32 s9, $0xF7A;
	s5 =	simm.s32 @!p2 $0x0  }
0x1d: {  	s5 =	simm.s32 @p1 $0x1;
	p0 =	seq.s32 s7, s2  }
0x1e: {  	s7 =	smul.u32 @!p0 $0xF7A, s2;
	p2 =	seq.s32 @!p0 s5, $0x0  }
0x1f: {  	s9 =	smul.u32 $0xF7A, s1;
	s8 =	simm.s32 @!p0 $0x1BF5;
	p2 =	por !p2, p0  }
0x20: {  	[sflag:s8] =	ssyncset.s32 @!p0 $0xFFFFF086;
	s6 =	sadd.s32 @!p0 s3, s7;
	s7 =	simm.s32 @!p0 $0x108  }
0x21: {  	s3 =	sadd.s32 s3, s9;
	s6 =	sadd.s32 @!p0 $0x88, s6;
	s7 =	simm.s32 @p2 $0x1082  }
0x22: {  	[simem:s7], [sflag:s8] =	dma.local @!p0 [hbm:s6], $0xF7A  }
0x23: {  	s9 =	sor.u32 $0xD0000000, s2;
	s6 =	simm.s32 $0x108;
	_ =	swait.ge @!p0 [sflag:s8], $0x0  }
0x24: {  	s3 =	sadd.s32 $0x88, s3;
	s6 =	simm.s32 @!p1 $0x1082;
	[sflag:s4] =	ssyncset.s32 $0xFFFFF086  }
0x25: {  	[simem:s6], [sflag:s4] =	dma.local [hbm:s3], $0xF7A  }
0x26: {  	[smem:$0x3F9D] =	sst s1;
	(tag) =	ssettag s2;
	_ =	strace s9  }
0x27: {  	s1 =	sld [smem:$0x3FAD]  }
0x28: {  	s2 =	sld [smem:$0x3FAE]  }
0x29: {  	s4 =	sld [smem:$0x3FB0]  }
0x2a: {  	p0 =	seq.s32 s5, $0x0;
	s5 =	sld [smem:$0x3FB1]  }
0x2b: {  	s6 =	sld [smem:$0x3FB2]  }
0x2c: {  	s7 =	sld [smem:$0x3FB3]  }
0x2d: {  	s3 =	simm.s32 $0x108;
	s8 =	sld [smem:$0x3FB4]  }
0x2e: {  	s3 =	simm.s32 @!p0 $0x1082;
	s9 =	sld [smem:$0x3FB5]  }
0x2f: {  	lr =	sadd.s32 s0, s3;
	s0 =	sld [smem:$0x3FAC]  }
0x30: {  	s3 =	sld [smem:$0x3FAF]  }
0x31: {  	[smem:$0x3FB8] =	sst s10  }
0x32: {  	s10 =	sld [smem:$0x3FB6];
	_ =	sdelay $0x3  }
0x33: {  	p0 =	seq.s32 s10, $0x1;
	s10 =	sld [smem:$0x3FB8];
	_ =	sdelay $0x3  }
0x34: {  	[smem:$0x3FB8] =	sst s10  }
0x35: {  	s10 =	sld [smem:$0x3FB7];
	_ =	sdelay $0x3  }
0x36: {  	p1 =	seq.s32 s10, $0x1;
	s10 =	sld [smem:$0x3FB8];
	_ =	sdelay $0x3  }
0x37: {  	[smem:$0x3FB8] =	sst s10  }
0x38: {  	s10 =	sld [smem:$0x3FB9]  }
0x39: {  	_ = 	snop;
	(pc) =	sbr.ind lr, $3  }
0x3a: {  	_ = 	snop  }
0x3b: {  	_ = 	snop  }
0x3c: {  	p2 =	seq.s32 s10, $0x1;
	s10 =	sld [smem:$0x3FB8]  }
0x3d: {  	_ =	shalt  }
0x3e: {  	_ =	shalt  }
0x3f: {  	_ =	shalt  }
0x40: {  	_ =	shalt  }
0x41: {  	_ =	shalt  }
0x42: {  	_ =	shalt  }
0x43: {  	_ =	shalt  }
0x44: {  	_ =	shalt  }
0x45: {  	_ =	shalt  }
0x46: {  	_ =	shalt  }
0x47: {  	_ =	shalt  }
0x48: {  	_ =	shalt  }
0x49: {  	_ =	shalt  }
0x4a: {  	_ =	shalt  }
0x4b: {  	_ =	shalt  }
0x4c: {  	_ =	shalt  }
0x4d: {  	_ =	shalt  }
0x4e: {  	_ =	shalt  }
0x4f: {  	_ =	shalt  }
0x50: {  	_ =	shalt  }
0x51: {  	_ =	shalt  }
0x52: {  	_ =	shalt  }
0x53: {  	_ =	shalt  }
0x54: {  	_ =	shalt  }
0x55: {  	_ =	shalt  }
0x56: {  	_ =	shalt  }
0x57: {  	_ =	shalt  }
0x58: {  	_ =	shalt  }
0x59: {  	_ =	shalt  }
0x5a: {  	_ =	shalt  }
0x5b: {  	_ =	shalt  }
0x5c: {  	_ =	shalt  }
0x5d: {  	_ =	shalt  }
0x5e: {  	_ =	shalt  }
0x5f: {  	_ =	shalt  }
0x60: {  	_ =	shalt  }
0x61: {  	_ =	shalt  }
0x62: {  	_ =	shalt  }
0x63: {  	_ =	shalt  }
0x64: {  	_ =	shalt  }
0x65: {  	_ =	shalt  }
0x66: {  	_ =	shalt  }
0x67: {  	_ =	shalt  }
0x68: {  	_ =	shalt  }
0x69: {  	_ =	shalt  }
0x6a: {  	_ =	shalt  }
0x6b: {  	_ =	shalt  }
0x6c: {  	_ =	shalt  }
0x6d: {  	_ =	shalt  }
0x6e: {  	_ =	shalt  }
0x6f: {  	_ =	shalt  }
0x70: {  	_ =	shalt  }
0x71: {  	_ =	shalt  }
0x72: {  	_ =	shalt  }
0x73: {  	_ =	shalt  }
0x74: {  	_ =	shalt  }
0x75: {  	_ =	shalt  }
0x76: {  	_ =	shalt  }
0x77: {  	_ =	shalt  }
0x78: {  	_ =	shalt  }
0x79: {  	_ =	shalt  }
0x7a: {  	_ =	shalt  }
0x7b: {  	_ =	shalt  }
0x7c: {  	_ =	shalt  }
0x7d: {  	_ =	shalt  }
0x7e: {  	_ =	shalt  }
0x7f: {  	_ =	shalt  }
0x80: {  	_ =	shalt  }
0x81: {  	_ =	shalt  }
0x82: {  	_ =	shalt  }
0x83: {  	_ =	shalt  }
0x84: {  	_ =	shalt  }
0x85: {  	_ =	shalt  }
0x86: {  	_ =	shalt  }
0x87: {  	_ =	shalt  }
.Lfunc_end0:
.L_simem_size_0:
called_computation_lowered:
.L_overlay_start_0:
0x88: {  	s2 =	sld [smem:$0x3FD9]  }
0x89: {  	s3 =	sld [smem:$0x3FFE];
	_ =	sdelay $0x1  }
0x8a: {  	s1 =	srdreg.scid  }
0x8b: {  	s0 =	sand.u32 $0x1, s1  }
0x8c: {  	s17 =	sshll.u32 s0, $0xA;
	s2 =	sadd.s32 s3, s2  }
0x8d: {  	s2 =	sadd.s32 s2, s17  }
0x8e: {  	[smem:$0x3FC4] =	sst s2  }
0x8f: {  	_ = 	snop  }
0x90: {  	s2 =	sld [smem:$0x3FC9]  }
0x91: {  	s18 =	sld [smem:$0x3FC8]  }
0x92: {  	s4 =	sld [smem:$0x3FC7]  }
0x93: {  	s5 =	sld [smem:$0x3FC6];
	(tm) =	ssettm $0x1  }
0x94: {  	s6 =	sld [smem:$0x3FFB];
	_ =	sdelay $0x3  }
0x95: {  	_ =	strace s6  }
0x96: {  	s6 =	sld [smem:$0x3FFC];
	_ =	sdelay $0x3  }
0x97: {  	_ =	strace s6  }
0x98: {  	s6 =	sld [smem:$0x3FFD];
	_ =	sdelay $0x3  }
0x99: {  	_ =	strace s6  }
0x9a: {  	_ =	strace $0x8FFFFFFF  }
0x9b: {  	s19 =	sld [smem:$0x3FDB];
	_ =	sdelay $0x1  }
0x9c: {  	s7 =	simm.s32 $_scs_section_size  }
0x9d: {  	s8 =	simm.s32 $_size__tile_overlayer_lowered;
	s9 =	simm.s32 $_tile_overlayer_lowered  }
0x9e: {  	s22 =	simm.s32 $0x1BFF;
	s21 =	sshll.u32 s9, $0x1;
	s6 =	sadd.s32 s7, s19  }
0x9f: {  	s10 =	simm.s32 $0x0;
	s20 =	sshll.u32 s8, $0x1;
	s8 =	sadd.s32 s21, s6  }
0xa0: {  	[timem:s10], [sflag:s22] =	dma.local [hbm:s8], s20  }
0xa1: {  	_ =	swait.ge [sflag:s22], s20  }
0xa2: {  	s7 =	ssub.s32 $0x0, s20;
	[sflag:s22] =	ssyncset.done $0x0  }
0xa3: {  	[sflag:s22] =	ssyncadd.s32 s7;
	_ =	sdelay $0x1  }
0xa4: {  	s23 =	simm.s32 $0x1B8B  }
0xa5: {  	_ =	swait.ge [sflag:s23], $0x1  }
0xa6: {  	[sflag:s23] =	ssyncset.done $0x0  }
0xa7: {  	s25 =	simm.s32 $0x1B8E;
	s24 =	sld [smem:$0x3FFE];
	[sflag:s23] =	ssyncadd.s32 $0xFFFFFFFF  }
0xa8: {  	s26 =	simm.s32 $execute0_lowered;
	[smem:$0x3FD2] =	sst s25  }
0xa9: {  	s8 =	sshll.u32 s26, $0x1;
	_ =	strace $0x80000046;
	[dreg:$0x1] =	wrdreg $0xFFFFFFFF  }
0xaa: {  	s28 =	simm.s32 $_size_execute0_lowered;
	s6 =	sadd.s32 s6, s8;
	[dreg:$0x0] =	wrdreg $0x0  }
0xab: {  	s8 =	sshll.u32 s28, $0x1;
	[dreg:$0x2] =	wrdreg s6  }
0xac: {  	[dreg:$0x3] =	wrdreg s8  }
0xad: {  	[dreg:$0x4] =	wrdreg $0xC0  }
0xae: {  	_ =	task [dreg:s10], $0x5FFFF  }
0xaf: {  	[dreg:$0x1] =	wrdreg $0xFFFFFFFF  }
0xb0: {  	[dreg:$0x0] =	wrdreg $0x60  }
0xb1: {  	[dreg:$0x2] =	wrdreg s2  }
0xb2: {  	[dreg:$0x3] =	wrdreg s18  }
0xb3: {  	[dreg:$0x4] =	wrdreg s4  }
0xb4: {  	[dreg:$0x5] =	wrdreg s5  }
0xb5: {  	[dreg:$0x6] =	wrdreg s24  }
0xb6: {  	[dreg:$0x7] =	wrdreg $0x9  }
0xb7: {  	_ =	task.clear_ibuf [dreg:s10], $0x8FFFF;
	_ =	strace $0x90000046  }
0xb8: {  	s29 =	simm.s32 $0x9;
	_ =	strace $0x80000048  }
0xb9: {  	_ =	swait.ge [sflag:s29], $0x1  }
0xba: {  	[sflag:s29] =	ssyncadd.s32 $0xFFFFFFFF  }
0xbb: {  	_ =	strace $0x90000048  }
0xbc: {  	_ =	sfence  }
0xbd: {  	s30 =	sld [smem:$0x0];
	_ =	sdelay $0x2  }
0xbe: {  	s31 =	sshll.u32 s1, $0xD;
	s1 =	sshrl.u32 s1, $0x2  }
0xbf: {  	s3 =	sand.u32 $0x4000, s31;
	s1 =	sadd.s32 s1, s30  }
0xc0: {  	s0 =	sor.u32 s3, s0;
	s1 =	sshll.u32 s1, $0x11  }
0xc1: {  	s0 =	sor.u32 s1, s0  }
0xc2: {  	s0 =	sadd.s32 $0x8F2B, s0  }
0xc3: {  	[sflag:s0] =	ssyncadd.remote.s32 $0x1  }
0xc4: {  	_ =	sfence.sel $0xFFFF  }
0xc5: {  	[dreg:$0x0] =	wrdreg $0xFFFFFFFF;
	(pc) =	sbr.abs _section_cstart, $3  }
0xc6: {  	[dreg:$0x1] =	wrdreg $0xFFFFFFFF  }
0xc7: {  	_ =	task.clear_ibuf [dreg:s10], $0x2FFFF;
	_ =	strace $0x9FFFFFFF  }
0xc8: {  	(tm) =	ssettm $0x7FFFFFFF  }
0xc9: {  	_ =	shalt  }
tec
execute0_lowered:
.L_overlay_start_1:
0x0: {  	(tag) =	ssettag $0x1  }
0x1: {  	s4 =	rddreg [dreg:$0x0]  }
0x2: {  	s0 =	rddreg [dreg:$0x1]  }
0x3: {  	s1 =	rddreg [dreg:$0x2];
	v0 =	vimm.s32 $0xBA98FEDC;
	v1 =	vimm.s32 $0x32107654  }
0x4: {  	s5 =	rddreg [dreg:$0x3];
	s3 =	srdreg.scid;
	v4 =	vimm.s32 $0x76543210;
	v2 =	vunpack.c.l.s4.s8 v0;
	v3 =	vunpack.c.l.s4.s8 v1  }
0x5: {  	s6 =	rddreg [dreg:$0x4];
	s2 =	stileid.u32;
	v5 =	vimm.s32 $0xFEDCBA98;
	v8 =	vimm.s32 $0x67452301;
	s13 =	simm.s32 $0x2880  }
0x6: {  	s14 =	simm.s32 $0x3080;
	s15 =	simm.s32 $0x3880;
	s16 =	simm.s32 $0x4080;
	v5 =	vunpack.c.l.s4.s8 v5;
	v2 =	vunpack.c.0.s8.s32 v2;
	v3 =	vunpack.c.0.s8.s32 v3  }
0x7: {  	v6 =	vimm.s32 $0xDCFE98BA;
	s17 =	simm.s32 $0x4880;
	s18 =	simm.s32 $0x5080;
	s19 =	simm.s32 $0x5880;
	v8 =	vunpack.c.l.s4.s8 v8  }
0x8: {  	s20 =	simm.s32 $0x80;
	s21 =	simm.s32 $0x1;
	s23 =	simm.s32 $0x6080;
	v4 =	vunpack.c.l.s4.s8 v4;
	v5 =	vunpack.c.0.s8.s32 v5;
	v7 =	vcombine.low v3, v2  }
0x9: {  	s22 =	simm.s32 $0x2;
	s24 =	simm.s32 $0x6100;
	s25 =	simm.s32 $0x6180;
	v2 =	vunpack.c.l.s4.s8 v6;
	v3 =	vimm.s32 $0x54761032;
	v6 =	vimm.s32 $0xEFCDAB89  }
0xa: {  	s26 =	simm.s32 $0x0;
	s7 =	sand.u32 $0x1, s3;
	s3 =	simm.s32 $0x0;
	v3 =	vunpack.c.l.s4.s8 v3;
	v6 =	vunpack.c.l.s4.s8 v6  }
0xb: {  	s8 =	sshll.u32 s2, $0x6;
	s9 =	sshll.u32 s7, $0x5;
	s7 =	ssub.s32 $0x2, s7;
	v8 =	vunpack.c.0.s8.s32 v8;
	v4 =	vunpack.c.0.s8.s32 v4;
	v5 =	vand.u32 $0xF, v5  }
0xc: {  	[smem:$0x7FF] =	sst s3;
	s8 =	sor.u32 s9, s8;
	s30 =	sshrl.u32 s7, $0x1;
	v2 =	vunpack.c.0.s8.s32 v2;
	v3 =	vunpack.c.0.s8.s32 v3;
	v6 =	vunpack.c.0.s8.s32 v6  }
0xd: {  	vm0 =	vmmov $0xffff;
	v0 =	vlaneseq.u32;
	_ =	strace $0x80000047;
	s9 =	sshrl.u32 s8, $0x3;
	s11 =	ssub.s32 s7, s30;
	v4 =	vcombine.low v5, v4  }
0xe: {  	v1 =	vand.u32 $0x7, v0;
	s31 =	sshll.u32 s8, $0x5;
	s10 =	sadd.s32 s9, s6;
	s5 =	sadd.s32 s5, s9;
	v9 =	vcombine.low v3, v2;
	v8 =	vcombine.low v8, v6  }
0xf: {  	s6 =	sadd.s32 s4, s31;
	s7 =	sadd.s32 $0x1000, s10;
	s8 =	sadd.s32 $0x1200, s10;
	v5 =	vand.u32 $0xF, v7;
	v2 =	vshrl.u32 v0, $0x3;
	v3 =	vor.u32 $0x8, v0  }
0x10: {  	s9 =	sadd.s32 $0x1400, s10;
	s10 =	smax.u32 s11, $0x1;
	s11 =	simm.s32 $0x3;
	v2 =	vmul.u32 $0x8, v2;
	v6 =	vand.u32 $0xF, v9;
	v7 =	vand.u32 $0xF, v8  }
.LBB2_1:
0x11: {  	[tilespmem:s3], [sflag:$0x3] =	stream.linear.gather [hbm4b:s5+s3], $0x20, $0x38;
	[tilespmem:$0x6200] =	vst v63  }
0x12: {  	_ =	swait.ge [sflag:s11], $0x20  }
0x13: {  	[sflag:s11] =	ssyncset.done $0x0  }
0x14: {  	[sflag:s11] =	ssyncadd.s32 $0xFFFFFFE0  }
0x15: {  	v8 =	vld [tilespmem:$0x0];
	_ =	sdelay $0x4  }
0x16: {  	v9 =	vshll.u32 v8, $0x1  }
0x17: {  	v8 =	vand.u32 $0x7, v8;
	v9 =	vand.u32 $0xFFFFFFF0, v9  }
0x18: {  	v8 =	vor.u32 v8, v9  }
0x19: {  	v9 =	vperm.xlane v8, v1;
	_ =	sdelay $0x1  }
0x1a: {  	v8 =	vperm.xlane v8, v3;
	v9 =	vadd.s32 v2, v9;
	_ =	sdelay $0x1  }
0x1b: {  	v8 =	vadd.s32 v2, v8;
	_ =	sdelay $0x1  }
0x1c: {  	s2 =	simm.s32 $0x2080  }
0x1d: {  	[tilespmem:s2], [sflag:$0x1] =	stream.indirect_vreg.gather [hbm4b:s0+s3], $0x80, v9, vm0, $0xb8;
	[tilespmem:$0x6200] =	vst v63  }
0x1e: {  	_ = 	snop  }
0x1f: {  	[tilespmem:s13], [sflag:$0x1] =	stream.indirect_vreg.gather [hbm4b:s0+s3], $0x80, v8, vm0, $0xb8;
	[tilespmem:$0x6200] =	vst v63  }
0x20: {  	v8 =	vld [tilespmem:$0x10];
	_ =	sdelay $0x4  }
0x21: {  	v9 =	vshll.u32 v8, $0x1  }
0x22: {  	v8 =	vand.u32 $0x7, v8;
	v9 =	vand.u32 $0xFFFFFFF0, v9  }
0x23: {  	v8 =	vor.u32 v8, v9  }
0x24: {  	v9 =	vperm.xlane v8, v1;
	_ =	sdelay $0x1  }
0x25: {  	v8 =	vperm.xlane v8, v3;
	v9 =	vadd.s32 v2, v9;
	_ =	sdelay $0x1  }
0x26: {  	v8 =	vadd.s32 v2, v8;
	_ =	sdelay $0x2  }
0x27: {  	[tilespmem:s14], [sflag:$0x1] =	stream.indirect_vreg.gather [hbm4b:s0+s3], $0x80, v9, vm0, $0xb8;
	[tilespmem:$0x6200] =	vst v63  }
0x28: {  	_ = 	snop  }
0x29: {  	[tilespmem:s15], [sflag:$0x1] =	stream.indirect_vreg.gather [hbm4b:s0+s3], $0x80, v8, vm0, $0xb8;
	[tilespmem:$0x6200] =	vst v63  }
0x2a: {  	v8 =	vld [tilespmem:$0x0];
	_ =	sdelay $0x4  }
0x2b: {  	v9 =	vshll.u32 v8, $0x1  }
0x2c: {  	v8 =	vand.u32 $0x7, v8;
	v9 =	vand.u32 $0xFFFFFFF0, v9  }
0x2d: {  	v8 =	vor.u32 v8, v9  }
0x2e: {  	v9 =	vperm.xlane v8, v1;
	_ =	sdelay $0x1  }
0x2f: {  	v8 =	vperm.xlane v8, v3;
	v9 =	vadd.s32 v2, v9;
	_ =	sdelay $0x1  }
0x30: {  	v8 =	vadd.s32 v2, v8;
	_ =	sdelay $0x2  }
0x31: {  	[tilespmem:s16], [sflag:$0x2] =	stream.indirect_vreg.gather [hbm4b:s1+s3], $0x80, v9, vm0, $0xb8;
	[tilespmem:$0x6200] =	vst v63  }
0x32: {  	_ = 	snop  }
0x33: {  	[tilespmem:s17], [sflag:$0x2] =	stream.indirect_vreg.gather [hbm4b:s1+s3], $0x80, v8, vm0, $0xb8;
	[tilespmem:$0x6200] =	vst v63  }
0x34: {  	v8 =	vld [tilespmem:$0x10];
	_ =	sdelay $0x4  }
0x35: {  	v9 =	vshll.u32 v8, $0x1  }
0x36: {  	v8 =	vand.u32 $0x7, v8;
	v9 =	vand.u32 $0xFFFFFFF0, v9  }
0x37: {  	v8 =	vor.u32 v8, v9  }
0x38: {  	v9 =	vperm.xlane v8, v1;
	_ =	sdelay $0x1  }
0x39: {  	v8 =	vperm.xlane v8, v3;
	v9 =	vadd.s32 v2, v9;
	_ =	sdelay $0x1  }
0x3a: {  	v8 =	vadd.s32 v2, v8;
	_ =	sdelay $0x2  }
0x3b: {  	[tilespmem:s18], [sflag:$0x2] =	stream.indirect_vreg.gather [hbm4b:s1+s3], $0x80, v9, vm0, $0xb8;
	[tilespmem:$0x6200] =	vst v63  }
0x3c: {  	_ = 	snop  }
0x3d: {  	[tilespmem:s19], [sflag:$0x2] =	stream.indirect_vreg.gather [hbm4b:s1+s3], $0x80, v8, vm0, $0xb8;
	[tilespmem:$0x6200] =	vst v63  }
0x3e: {  	_ = 	snop  }
0x3f: {  	[tilespmem:s20], [sflag:$0x3] =	stream.linear.gather [hbm4b:s6+s3], $0x2000, $0x38;
	[tilespmem:$0x6200] =	vst v63  }
0x40: {  	_ =	swait.ge [sflag:s11], $0x2000  }
0x41: {  	[sflag:s11] =	ssyncset.done $0x0  }
0x42: {  	[sflag:s11] =	ssyncadd.s32 $0xFFFFE000  }
0x43: {  	_ =	swait.ge [sflag:s21], $0x2000  }
0x44: {  	[sflag:s21] =	ssyncset.done $0x0  }
0x45: {  	[sflag:s21] =	ssyncadd.s32 $0xFFFFE000  }
0x46: {  	_ =	swait.ge [sflag:s22], $0x2000  }
0x47: {  	v10 =	vimm.f32 $0.0e+00;
	[sflag:s22] =	ssyncset.done $0x0  }
0x48: {  	v11 =	vimm.f32 $0.0e+00;
	s28 =	simm.s32 $0x0;
	v9 =	vimm.f32 $0.0e+00;
	v8 =	vimm.f32 $0.0e+00;
	[sflag:s22] =	ssyncadd.s32 $0xFFFFE000  }
.LBB2_2:
0x49: {  	s4 =	sshll.u32 s28, $0x8;
	s29 =	sshll.u32 s28, $0x7  }
0x4a: {  	s30 =	simm.s32 $0x0;
	s4 =	sand.u32 $0x800, s4;
	s29 =	sand.u32 $0x380, s29  }
0x4b: {  	s2 =	sand.u32 $0x400, s30;
	s29 =	sor.u32 s4, s29  }
0x4c: {  	s30 =	sand.u32 $0x70, s30;
	s4 =	sor.u32 s2, s29  }
0x4d: {  	s4 =	sor.u32 s30, s4  }
0x4e: {  	v13 =	vld [tilespmem:s4+$0x80]  }
0x4f: {  	v14 =	vld [tilespmem:s4+$0x2080]  }
0x50: {  	s12 =	simm.s32 $0x80;
	v15 =	vld [tilespmem:s4+$0x4080]  }
0x51: {  	s30 =	simm.s32 $0x10;
	s4 =	sand.u32 $0x400, s12  }
0x52: {  	s30 =	sand.u32 $0x70, s30;
	s4 =	sor.u32 s4, s29  }
0x53: {  	s4 =	sor.u32 s30, s4  }
0x54: {  	v12 =	vld [tilespmem:s4+$0x80];
	v16 =	vmul.f32 v13, v13;
	v17 =	vmul.f32 v14, v13  }
0x55: {  	v14 =	vld [tilespmem:s4+$0x2080];
	v18 =	vmul.f32 v15, v13  }
0x56: {  	s31 =	simm.s32 $0x100;
	s30 =	simm.s32 $0x20;
	v13 =	vadd.f32 v16, v9;
	v16 =	vld [tilespmem:s4+$0x4080];
	v15 =	vadd.f32 v17, v9;
	v17 =	vimm.f32 $0.0e+00  }
.LBB2_3:
0x57: {  	s4 =	sand.u32 $0x400, s31  }
0x58: {  	p0 =	sne.s32 s30, $0xF0;
	v17 =	vadd.f32 v18, v17;
	s2 =	smov.u32 s30;
	s30 =	sadd.s32 $0x10, s30  }
.Ltmp0:
0x59: {  	s2 =	sand.u32 $0x70, s2;
	s4 =	sor.u32 s4, s29;
	(pc) =	sbr.rel @p0 .LBB2_3-.Ltmp0, $4  }
0x5a: {  	s2 =	sor.u32 s2, s4;
	v19 =	vmul.f32 v12, v12;
	v18 =	vmov v12  }
0x5b: {  	v12 =	vld [tilespmem:s2+$0x80];
	v20 =	vmul.f32 v14, v18  }
0x5c: {  	v14 =	vld [tilespmem:s2+$0x2080];
	v18 =	vmul.f32 v16, v18;
	v13 =	vadd.f32 v19, v13  }
0x5d: {  	s31 =	sadd.s32 $0x80, s31;
	v16 =	vld [tilespmem:s2+$0x4080];
	v15 =	vadd.f32 v20, v15  }
0x5e: {  	_ =	sdelay $0x2  }
0x5f: {  	v59 =	vmul.f32 v12, v12  }
0x60: {  	v17 =	vadd.f32 v18, v17;
	v14 =	vmul.f32 v14, v12;
	v60 =	vmul.f32 v16, v12  }
0x61: {  	v13 =	vadd.f32 v59, v13  }
0x62: {  	v14 =	vadd.f32 v14, v15;
	v12 =	vadd.f32 v60, v17  }
0x63: {  	v62 =	vperm.xlane v13, v4  }
0x64: {  	v15 =	vperm.xlane v14, v4;
	v61 =	vperm.xlane v12, v4  }
0x65: {  	v13 =	vadd.f32 v62, v13  }
0x66: {  	v14 =	vadd.f32 v15, v14;
	v12 =	vadd.f32 v61, v12  }
0x67: {  	v17 =	vperm.xlane v13, v5  }
0x68: {  	v15 =	vperm.xlane v14, v5;
	v16 =	vperm.xlane v12, v5  }
0x69: {  	v13 =	vadd.f32 v17, v13  }
0x6a: {  	v14 =	vadd.f32 v15, v14;
	v12 =	vadd.f32 v16, v12  }
0x6b: {  	v17 =	vperm.xlane v13, v6  }
0x6c: {  	v15 =	vperm.xlane v14, v6;
	v16 =	vperm.xlane v12, v6  }
0x6d: {  	v13 =	vadd.f32 v17, v13  }
0x6e: {  	v63 =	vmov s28;
	s28 =	sadd.s32 $0x1, s28;
	v14 =	vadd.f32 v15, v14;
	v12 =	vadd.f32 v16, v12  }
0x6f: {  	p0 =	sne.s32 s28, $0x10;
	v17 =	vperm.xlane v13, v7  }
.Ltmp1:
0x70: {  	v15 =	vperm.xlane v14, v7;
	v16 =	vperm.xlane v12, v7;
	(pc) =	sbr.rel @p0 .LBB2_2-.Ltmp1, $4  }
0x71: {  	v13 =	vadd.f32 v17, v13  }
0x72: {  	v14 =	vadd.f32 v15, v14;
	v12 =	vadd.f32 v16, v12  }
0x73: {  	vm1 =	veq.s32 v63, v0  }
0x74: {  	v8 =	vsel vm1, v13, v8;
	v11 =	vsel vm1, v14, v11;
	v10 =	vsel vm1, v12, v10  }
0x75: {  	[tilespmem:$0x6080] =	vst v11  }
0x76: {  	[tilespmem:$0x6100] =	vst v10;
	v9 =	vimm.f32 $0.0e+00  }
0x77: {  	[tilespmem:$0x6180] =	vst v8;
	s28 =	simm.s32 $0x0;
	v8 =	vimm.f32 $0.0e+00;
	v10 =	vimm.f32 $0.0e+00;
	v11 =	vimm.f32 $0.0e+00;
	s29 =	simm.s32 $0x0  }
.LBB2_6:
0x78: {  	s2 =	sshll.u32 s29, $0x8;
	s4 =	sshll.u32 s29, $0x7  }
0x79: {  	s2 =	sand.u32 $0x800, s2;
	s4 =	sand.u32 $0x380, s4  }
0x7a: {  	s30 =	sor.u32 s4, s2;
	s4 =	sand.u32 $0x400, s28  }
0x7b: {  	s12 =	sand.u32 $0x70, s28;
	s2 =	sor.u32 s4, s30  }
0x7c: {  	s2 =	sor.u32 s12, s2  }
0x7d: {  	v13 =	vld [tilespmem:s2+$0x1080]  }
0x7e: {  	v14 =	vld [tilespmem:s2+$0x3080]  }
0x7f: {  	s4 =	simm.s32 $0x80;
	v15 =	vld [tilespmem:s2+$0x5080]  }
0x80: {  	s12 =	simm.s32 $0x10;
	s2 =	sand.u32 $0x400, s4  }
0x81: {  	s4 =	sand.u32 $0x70, s12;
	s2 =	sor.u32 s2, s30  }
0x82: {  	s2 =	sor.u32 s4, s2  }
0x83: {  	v12 =	vld [tilespmem:s2+$0x1080];
	v16 =	vmul.f32 v13, v13;
	v17 =	vmul.f32 v14, v13  }
0x84: {  	v14 =	vld [tilespmem:s2+$0x3080];
	v18 =	vmul.f32 v15, v13  }
0x85: {  	s31 =	simm.s32 $0x20;
	s4 =	simm.s32 $0x100;
	v13 =	vadd.f32 v16, v9;
	v16 =	vld [tilespmem:s2+$0x5080];
	v15 =	vadd.f32 v17, v9;
	v17 =	vimm.f32 $0.0e+00  }
.LBB2_7:
0x86: {  	s2 =	sand.u32 $0x400, s4  }
0x87: {  	p0 =	sne.s32 s31, $0xF0;
	v17 =	vadd.f32 v18, v17;
	s12 =	smov.u32 s31;
	s31 =	sadd.s32 $0x10, s31  }
.Ltmp2:
0x88: {  	s12 =	sand.u32 $0x70, s12;
	s2 =	sor.u32 s2, s30;
	(pc) =	sbr.rel @p0 .LBB2_7-.Ltmp2, $4  }
0x89: {  	s2 =	sor.u32 s12, s2;
	v19 =	vmul.f32 v12, v12;
	v18 =	vmov v12  }
0x8a: {  	v12 =	vld [tilespmem:s2+$0x1080];
	v20 =	vmul.f32 v14, v18  }
0x8b: {  	v14 =	vld [tilespmem:s2+$0x3080];
	v18 =	vmul.f32 v16, v18;
	v13 =	vadd.f32 v19, v13  }
0x8c: {  	s4 =	sadd.s32 $0x80, s4;
	v16 =	vld [tilespmem:s2+$0x5080];
	v15 =	vadd.f32 v20, v15  }
0x8d: {  	_ =	sdelay $0x2  }
0x8e: {  	v59 =	vmul.f32 v12, v12  }
0x8f: {  	v17 =	vadd.f32 v18, v17;
	v14 =	vmul.f32 v14, v12;
	v60 =	vmul.f32 v16, v12  }
0x90: {  	v13 =	vadd.f32 v59, v13  }
0x91: {  	v14 =	vadd.f32 v14, v15;
	v12 =	vadd.f32 v60, v17  }
0x92: {  	v62 =	vperm.xlane v13, v4  }
0x93: {  	v15 =	vperm.xlane v14, v4;
	v61 =	vperm.xlane v12, v4  }
0x94: {  	v13 =	vadd.f32 v62, v13  }
0x95: {  	v14 =	vadd.f32 v15, v14;
	v12 =	vadd.f32 v61, v12  }
0x96: {  	v17 =	vperm.xlane v13, v5  }
0x97: {  	v15 =	vperm.xlane v14, v5;
	v16 =	vperm.xlane v12, v5  }
0x98: {  	v13 =	vadd.f32 v17, v13  }
0x99: {  	v14 =	vadd.f32 v15, v14;
	v12 =	vadd.f32 v16, v12  }
0x9a: {  	v17 =	vperm.xlane v13, v6  }
0x9b: {  	v15 =	vperm.xlane v14, v6;
	v16 =	vperm.xlane v12, v6  }
0x9c: {  	v13 =	vadd.f32 v17, v13  }
0x9d: {  	v63 =	vmov s29;
	s29 =	sadd.s32 $0x1, s29;
	v14 =	vadd.f32 v15, v14;
	v12 =	vadd.f32 v16, v12  }
0x9e: {  	p0 =	sne.s32 s29, $0x10;
	v17 =	vperm.xlane v13, v7  }
.Ltmp3:
0x9f: {  	v15 =	vperm.xlane v14, v7;
	v16 =	vperm.xlane v12, v7;
	(pc) =	sbr.rel @p0 .LBB2_6-.Ltmp3, $4  }
0xa0: {  	v13 =	vadd.f32 v17, v13  }
0xa1: {  	v14 =	vadd.f32 v15, v14;
	v12 =	vadd.f32 v16, v12  }
0xa2: {  	vm1 =	veq.s32 v63, v0  }
0xa3: {  	v8 =	vsel vm1, v13, v8;
	v11 =	vsel vm1, v14, v11;
	v10 =	vsel vm1, v12, v10  }
0xa4: {  	[tilespmem:$0x6090] =	vst v11  }
0xa5: {  	[tilespmem:$0x6110] =	vst v10  }
0xa6: {  	[tilespmem:$0x6190] =	vst v8  }
0xa7: {  	[hbm4b:s7+s3] =	stream.linear.scatter [tilespmem:s23], [sflag:$0x3], $0x20, $0x38;
	[tilespmem:$0x6200] =	vst v63  }
0xa8: {  	_ =	swait.ge [sflag:s11], $0x20  }
0xa9: {  	[sflag:s11] =	ssyncset.done $0x0  }
0xaa: {  	[sflag:s11] =	ssyncadd.s32 $0xFFFFFFE0  }
0xab: {  	[hbm4b:s8+s3] =	stream.linear.scatter [tilespmem:s24], [sflag:$0x3], $0x20, $0x38;
	[tilespmem:$0x6200] =	vst v63  }
0xac: {  	s26 =	sadd.s32 $0x1, s26;
	_ =	swait.ge [sflag:s11], $0x20  }
0xad: {  	p0 =	sne.s32 s26, s10;
	[sflag:s11] =	ssyncset.done $0x0  }
.Ltmp4:
0xae: {  	[sflag:s11] =	ssyncadd.s32 $0xFFFFFFE0;
	(pc) =	sbr.rel @p0 .LBB2_1-.Ltmp4, $4  }
0xaf: {  	[hbm4b:s9+s3] =	stream.linear.scatter [tilespmem:s25], [sflag:$0x3], $0x20, $0x38;
	[tilespmem:$0x6200] =	vst v63  }
0xb0: {  	_ =	swait.ge [sflag:s11], $0x20  }
0xb1: {  	[sflag:s11] =	ssyncset.done $0x0  }
0xb2: {  	[sflag:s11] =	ssyncadd.s32 $0xFFFFFFE0  }
0xb3: {  	_ =	sfence.sel $0x180000  }
0xb4: {  	[bflag:$0x0] =	sbarrier.arrive $0xFFFF  }
0xb5: {  	_ =	strace $0x90000047  }
0xb6: {  	s0 =	stileid.u32;
	[bflag:$0x2] =	sbarrier.arrive $0xFFFF  }
0xb7: {  	p0 =	sne.s32 s0, $0x0;
	s0 =	rddreg [dreg:$0x5]  }
0xb8: {  	s0 =	sadd.s32 @!p0 $0x100000, s0  }
0xb9: {  	[sflag:s0] =	ssyncadd.tile.s32 @!p0 $0x1;
	_ =	shalt  }
.Lfunc_end2:
_tile_overlayer_lowered:
.L_overlay_start_2:
0xba: {  	(tag) =	ssettag $0x2  }
0xbb: {  	s0 =	rddreg [dreg:$0x0];
	s2 =	stileid.u32  }
0xbc: {  	s1 =	rddreg [dreg:$0x1];
	p0 =	sne.s32 s2, $0x0  }
0xbd: {  	s3 =	rddreg [dreg:$0x2];
	[bflag:$0x3] =	sbarrier.arrive $0xFFFF;
	s2 =	simm.s32 @!p0 $0x1C03  }
0xbe: {  	[timem:s3], [sflag:s2] =	dma.local @!p0 [hbm:s0], s1  }
0xbf: {  	s0 =	simm.s32 @!p0 $0x3  }
0xc0: {  	_ =	swait.ge @!p0 [sflag:s0], s1  }
0xc1: {  	s1 =	ssub.s32 @!p0 $0x0, s1;
	[sflag:s0] =	ssyncset.done @!p0 $0x0  }
0xc2: {  	[sflag:s0] =	ssyncadd.s32 @!p0 s1  }
0xc3: {  	[bflag:$0x3] =	sbarrier.arrive $0xFFFF  }
0xc4: {  	_ =	shalt  }

</sc_bundles>
